<compile_context>
chip_gen: v7x
topology: tpu7x:2x2x1
jax: 0.10.2.dev20260603
libtpu: 0.0.44.dev20260713+nightly
codegen_flags: <defaults>
</compile_context>

<pallas_src>
import functools

import jax
import jax.numpy as jnp
from jax import lax
from jax.experimental import pallas as pl
from jax.experimental.pallas import tpu as pltpu
from jax.experimental.pallas import tpu_sc as plsc

N = 320
NUM_NODES = N * N
NOUT = NUM_NODES * 4
NW = 32
ROWS_W = N // NW
VALS_W = ROWS_W * N * 4
SLAB_ROWS = 24
VPR = (N * 4) // 16

_MESH = plsc.VectorSubcoreMesh(core_axis_name="c", subcore_axis_name="s",
                               num_cores=2, num_subcores=16)


@functools.partial(
    pl.kernel,
    out_type=jax.ShapeDtypeStruct((NOUT,), jnp.float32),
    mesh=_MESH,
    compiler_params=pltpu.CompilerParams(needs_layout_passes=False),
    scratch_types=(
        pltpu.VMEM((SLAB_ROWS, N), jnp.float32),
        pltpu.VMEM((VALS_W,), jnp.float32),
        pltpu.SemaphoreType.DMA,
    ),
)
def _values_sc(grid_hbm, vals_hbm, slab_v, vals_v, sem):
    wid = lax.axis_index("s") * 2 + lax.axis_index("c")
    i0 = wid * ROWS_W
    s = pl.multiple_of(
        jnp.clip(((i0 - 1) // 8) * 8, 0, N - SLAB_ROWS), 8)

    pltpu.sync_copy(grid_hbm.at[pl.ds(s, SLAB_ROWS)], slab_v)

    lane = lax.iota(jnp.int32, 16)
    k = lane & 3
    l4 = lane >> 2
    di = jnp.where(k == 0, 1, jnp.where(k == 1, -1, 0))
    dj = jnp.where(k == 2, 1, jnp.where(k == 3, -1, 0))

    copies = []
    for r in range(ROWS_W):
        i = i0 + r
        ti = i + di
        ok_i = (ti >= 0) & (ti < N)
        ti_loc = jnp.clip(ti, 0, N - 1) - s

        @plsc.parallel_loop(0, VPR, unroll=4)
        def vec_body(jj):
            jv = jj * 4 + l4
            tj = jv + dj
            m = ok_i & (tj >= 0) & (tj < N)
            val = plsc.load_gather(slab_v, [ti_loc, jnp.clip(tj, 0, N - 1)])
            vals_v[pl.ds(r * (N * 4) + jj * 16, 16)] = jnp.where(m, val, 0.0)

        copies.append(pltpu.async_copy(
            vals_v.at[pl.ds(r * (N * 4), N * 4)],
            vals_hbm.at[pl.ds(wid * VALS_W + r * (N * 4), N * 4)], sem))

    for c in copies:
        c.wait()


_RC_GRID = 8
_RC_ROWS = NOUT // 128 // _RC_GRID


def _rc_tc_body(rows_ref, cols_ref):
    g = pl.program_id(0)
    grow = (g * _RC_ROWS
            + lax.broadcasted_iota(jnp.int32, (_RC_ROWS, 128), 0))
    idx = grow * 128 + lax.broadcasted_iota(jnp.int32, (_RC_ROWS, 128), 1)
    k = idx & 3
    v = idx >> 2
    i = ((v >> 6) * 52429) >> 18
    j = v - i * N
    ti = i + jnp.where(k == 0, 1, jnp.where(k == 1, -1, 0))
    tj = j + jnp.where(k == 2, 1, jnp.where(k == 3, -1, 0))
    m = (ti >= 0) & (ti < N) & (tj >= 0) & (tj < N)
    rows_ref[...] = jnp.where(m, v, 0)
    cols_ref[...] = jnp.where(m, ti * N + tj, 0)


_rc_tc = pl.pallas_call(
    _rc_tc_body,
    grid=(_RC_GRID,),
    out_specs=(
        pl.BlockSpec((_RC_ROWS, 128), lambda g: (g, 0)),
        pl.BlockSpec((_RC_ROWS, 128), lambda g: (g, 0)),
    ),
    out_shape=(
        jax.ShapeDtypeStruct((NOUT // 128, 128), jnp.int32),
        jax.ShapeDtypeStruct((NOUT // 128, 128), jnp.int32),
    ),
)


def kernel(grid):
    vals = _values_sc(grid)
    rows, cols = _rc_tc()
    return vals, jnp.stack([rows.reshape(NOUT), cols.reshape(NOUT)], axis=1)

# --- scband reference (transcript-rebuilt; emitter-appended) ---
"""Pipeline reference for scband-grid-graph-27230092657617 (READ-ONLY COPY).

The authoritative reference and input builder live on the scoring server;
editing this copy changes nothing except your own understanding.
"""

import jax, jax.numpy as jnp
import numpy as np

NEIGHBORS = jnp.array([(1, 0), (-1, 0), (0, 1), (0, -1)], dtype=jnp.int32)  # ROOK_CONTIGUITY


def setup_inputs(seed: int = 0) -> dict:
    key = jax.random.key(seed)
    grid = jax.random.uniform(key, (320, 320), dtype=jnp.float32)
    return {"grid": grid}


def reference(grid):
    # Faithful translation of GridGraph.get_adjacency_matrix with the default
    # fun = lambda x, y: y (edge weight = target vertex permeability).
    nrows, ncols = grid.shape
    num_nodes = nrows * ncols
    neighbors = NEIGHBORS
    num_neighbors = neighbors.shape[0]

    v = jnp.arange(num_nodes)
    i = v // ncols
    j = v % ncols
    source_xy_coord = jnp.column_stack((i, j))

    candidate_target_xy_coord = source_xy_coord[:, None, :] + neighbors[None, :, :]
    in_bounds = (
        (candidate_target_xy_coord[..., 0] >= 0)
        & (candidate_target_xy_coord[..., 0] < nrows)
        & (candidate_target_xy_coord[..., 1] >= 0)
        & (candidate_target_xy_coord[..., 1] < ncols)
    )
    target_xy_coord = jnp.where(in_bounds[..., None], candidate_target_xy_coord, 0)
    target_node_indices = target_xy_coord[..., 0] * ncols + target_xy_coord[..., 1]
    target_node_indices = jnp.where(in_bounds, target_node_indices, 0)

    source_node_indices = jnp.broadcast_to(v[:, None], (num_nodes, num_neighbors))
    source_node_indices = jnp.where(in_bounds, source_node_indices, 0)

    src_vals = grid[source_xy_coord[:, None, 0], source_xy_coord[:, None, 1]]
    tgt_vals = grid[target_xy_coord[..., 0], target_xy_coord[..., 1]]
    values = tgt_vals  # fun(x, y) = y
    values = jnp.where(in_bounds, values, 0.0)

    source_node_indices = source_node_indices.ravel()
    target_node_indices = target_node_indices.ravel()
    values = values.ravel()
    row_col_indices = jnp.stack([source_node_indices, target_node_indices], axis=1)
    # BCOO((values, row_col_indices), shape=(num_nodes, num_nodes)) -> return its buffers
    return values, row_col_indices

if __name__ == "__main__":
    import jax
    _d = setup_inputs()
    print(jax.jit(kernel)(*tuple(_d.values())))

</pallas_src>

<mosaic_0001>
#map = affine_map<(d0, d1) -> (0, 0)>
#map1 = affine_map<(d0, d1) -> (0)>
module attributes {stable_mosaic.version = 14 : i64} {
  func.func @_values_sc(%arg0: i32, %arg1: i32, %arg2: memref<320x320xf32, #tpu.memory_space<hbm>>, %arg3: memref<409600xf32, #tpu.memory_space<hbm>>, %arg4: memref<24x320xf32, #tpu.memory_space<vmem>>, %arg5: memref<12800xf32, #tpu.memory_space<vmem>>, %arg6: memref<!tpu.dma_semaphore, #tpu.memory_space<semaphore_mem>>) attributes {dimension_semantics = [#tpu.dimension_semantics<core_parallel>, #tpu.dimension_semantics<subcore_parallel>], iteration_bounds = array<i64: 2, 16>, scalar_prefetch = 0 : i64, scratch_operands = 3 : i64, tpu.core_type = #tpu.core_type<sc_vector_subcore>, window_params = [{transform_indices = #map}, {transform_indices = #map1}]} {
    %mul3A = arith.constant 2 : i32
    %mul3A_0 = arith.muli %arg1, %mul3A : i32
    %add3A = arith.addi %mul3A_0, %arg0 : i32
    %mul3A_1 = arith.constant 10 : i32
    %mul3A_2 = arith.muli %add3A, %mul3A_1 : i32
    %sub3A = arith.constant 1 : i32
    %sub3A_3 = arith.subi %mul3A_2, %sub3A : i32
    %jit3A = arith.constant 8 : i32
    %div3A = arith.divsi %sub3A_3, %jit3A : i32
    %sign3A = arith.constant 0 : i32
    %sign3A_4 = arith.cmpi sgt, %sub3A_3, %sign3A : i32
    %sign3A_5 = arith.extui %sign3A_4 : i1 to i32
    %sign3A_6 = arith.constant 0 : i32
    %sign3A_7 = arith.cmpi slt, %sub3A_3, %sign3A_6 : i32
    %sign3A_8 = arith.extui %sign3A_7 : i1 to i32
    %sign3A_9 = arith.subi %sign3A_5, %sign3A_8 : i32
    %sign3A_10 = arith.constant 0 : i32
    %sign3A_11 = arith.cmpi sgt, %jit3A, %sign3A_10 : i32
    %sign3A_12 = arith.extui %sign3A_11 : i1 to i32
    %sign3A_13 = arith.constant 0 : i32
    %sign3A_14 = arith.cmpi slt, %jit3A, %sign3A_13 : i32
    %sign3A_15 = arith.extui %sign3A_14 : i1 to i32
    %sign3A_16 = arith.subi %sign3A_12, %sign3A_15 : i32
    %ne3A = arith.cmpi ne, %sign3A_9, %sign3A_16 : i32
    %rem3A = arith.remsi %sub3A_3, %jit3A : i32
    %ne3A_17 = arith.constant 0 : i32
    %ne3A_18 = arith.cmpi ne, %rem3A, %ne3A_17 : i32
    %and3A = arith.andi %ne3A, %ne3A_18 : i1
    %sub3A_19 = arith.constant 1 : i32
    %sub3A_20 = arith.subi %div3A, %sub3A_19 : i32
    %select_n3A = arith.select %and3A, %sub3A_20, %div3A : i32
    %mul3A_21 = arith.constant 8 : i32
    %mul3A_22 = arith.muli %select_n3A, %mul3A_21 : i32
    %jit3A_23 = arith.constant 0 : i32
    %jit3A_24 = arith.constant 296 : i32
    %max3A = arith.maxsi %jit3A_23, %mul3A_22 : i32
    %min3A = arith.minsi %jit3A_24, %max3A : i32
    %multiple_of3A = tpu.assume_multiple %min3A, 8 : i32
    "tpu.region"() ({
      %run_scoped3A = tpu.sem_alloc : memref<!tpu.dma_semaphore, #tpu.memory_space<semaphore_mem>>
      %dma_start3A_431 = arith.constant 0 : i32
      %dma_start3A_432 = tpu.memref_slice %arg2[%multiple_of3A, %dma_start3A_431] : memref<320x320xf32, #tpu.memory_space<hbm>> -> memref<24x320xf32, #tpu.memory_space<hbm>>
      %dma_start3A_433 = arith.constant 0 : i32
      %dma_start3A_434 = tpu.memref_slice %arg2[%multiple_of3A, %dma_start3A_433] : memref<320x320xf32, #tpu.memory_space<hbm>> -> memref<24x320xf32, #tpu.memory_space<hbm>>
      tpu.enqueue_dma source(%dma_start3A_434 : memref<24x320xf32, #tpu.memory_space<hbm>>) target(%arg4 : memref<24x320xf32, #tpu.memory_space<vmem>>) target_semaphore(%run_scoped3A : memref<!tpu.dma_semaphore, #tpu.memory_space<semaphore_mem>>)
      %dma_wait3A_435 = arith.constant 0 : i32
      %dma_wait3A_436 = tpu.memref_slice %arg2[%multiple_of3A, %dma_wait3A_435] : memref<320x320xf32, #tpu.memory_space<hbm>> -> memref<24x320xf32, #tpu.memory_space<hbm>>
      %dma_wait3A_437 = arith.constant 0 : i32
      %dma_wait3A_438 = tpu.memref_slice %arg2[%multiple_of3A, %dma_wait3A_437] : memref<320x320xf32, #tpu.memory_space<hbm>> -> memref<24x320xf32, #tpu.memory_space<hbm>>
      tpu.wait_dma2 semaphore(%run_scoped3A : memref<!tpu.dma_semaphore, #tpu.memory_space<semaphore_mem>>) src(%dma_wait3A_438 : memref<24x320xf32, #tpu.memory_space<hbm>>) dst(%arg4 : memref<24x320xf32, #tpu.memory_space<vmem>>)
      tpu.yield
    }) : () -> ()
    %iota3A = tpu.iota {dimensions = array<i32: 0>} : vector<16xi32>
    %and3A_25 = arith.constant 3 : i32
    %and3A_26 = vector.broadcast %and3A_25 : i32 to vector<16xi32>
    %and3A_27 = arith.andi %iota3A, %and3A_26 : vector<16xi32>
    %shift_right_arithmetic3A = arith.constant 2 : i32
    %shift_right_arithmetic3A_28 = vector.broadcast %shift_right_arithmetic3A : i32 to vector<16xi32>
    %shift_right_arithmetic3A_29 = arith.shrsi %iota3A, %shift_right_arithmetic3A_28 : vector<16xi32>
    %eq3A = arith.constant 0 : i32
    %eq3A_30 = vector.broadcast %eq3A : i32 to vector<16xi32>
    %eq3A_31 = arith.cmpi eq, %and3A_27, %eq3A_30 : vector<16xi32>
    %eq3A_32 = arith.constant 1 : i32
    %eq3A_33 = vector.broadcast %eq3A_32 : i32 to vector<16xi32>
    %eq3A_34 = arith.cmpi eq, %and3A_27, %eq3A_33 : vector<16xi32>
    %jit3A_35 = arith.constant -1 : i32
    %jit3A_36 = arith.constant 0 : i32
    %broadcast_in_dim3A = vector.broadcast %jit3A_35 : i32 to vector<16xi32>
    %broadcast_in_dim3A_37 = vector.broadcast %jit3A_36 : i32 to vector<16xi32>
    %select_n3A_38 = arith.select %eq3A_34, %broadcast_in_dim3A, %broadcast_in_dim3A_37 : vector<16xi1>, vector<16xi32>
    %jit3A_39 = arith.constant 1 : i32
    %broadcast_in_dim3A_40 = vector.broadcast %jit3A_39 : i32 to vector<16xi32>
    %select_n3A_41 = arith.select %eq3A_31, %broadcast_in_dim3A_40, %select_n3A_38 : vector<16xi1>, vector<16xi32>
    %eq3A_42 = arith.constant 2 : i32
    %eq3A_43 = vector.broadcast %eq3A_42 : i32 to vector<16xi32>
    %eq3A_44 = arith.cmpi eq, %and3A_27, %eq3A_43 : vector<16xi32>
    %eq3A_45 = arith.constant 3 : i32
    %eq3A_46 = vector.broadcast %eq3A_45 : i32 to vector<16xi32>
    %eq3A_47 = arith.cmpi eq, %and3A_27, %eq3A_46 : vector<16xi32>
    %jit3A_48 = arith.constant -1 : i32
    %jit3A_49 = arith.constant 0 : i32
    %broadcast_in_dim3A_50 = vector.broadcast %jit3A_48 : i32 to vector<16xi32>
    %broadcast_in_dim3A_51 = vector.broadcast %jit3A_49 : i32 to vector<16xi32>
    %select_n3A_52 = arith.select %eq3A_47, %broadcast_in_dim3A_50, %broadcast_in_dim3A_51 : vector<16xi1>, vector<16xi32>
    %jit3A_53 = arith.constant 1 : i32
    %broadcast_in_dim3A_54 = vector.broadcast %jit3A_53 : i32 to vector<16xi32>
    %select_n3A_55 = arith.select %eq3A_44, %broadcast_in_dim3A_54, %select_n3A_52 : vector<16xi1>, vector<16xi32>
    %add3A_56 = arith.constant 0 : i32
    %add3A_57 = arith.addi %mul3A_2, %add3A_56 : i32
    %add3A_58 = vector.broadcast %add3A_57 : i32 to vector<16xi32>
    %add3A_59 = arith.addi %add3A_58, %select_n3A_41 : vector<16xi32>
    %ge3A = arith.constant 0 : i32
    %ge3A_60 = vector.broadcast %ge3A : i32 to vector<16xi32>
    %ge3A_61 = arith.cmpi sge, %add3A_59, %ge3A_60 : vector<16xi32>
    %lt3A = arith.constant 320 : i32
    %lt3A_62 = vector.broadcast %lt3A : i32 to vector<16xi32>
    %lt3A_63 = arith.cmpi slt, %add3A_59, %lt3A_62 : vector<16xi32>
    %and3A_64 = arith.andi %ge3A_61, %lt3A_63 : vector<16xi1>
    %jit3A_65 = arith.constant 0 : i32
    %jit3A_66 = arith.constant 319 : i32
    %max3A_67 = vector.broadcast %jit3A_65 : i32 to vector<16xi32>
    %max3A_68 = arith.maxsi %max3A_67, %add3A_59 : vector<16xi32>
    %min3A_69 = vector.broadcast %jit3A_66 : i32 to vector<16xi32>
    %min3A_70 = arith.minsi %min3A_69, %max3A_68 : vector<16xi32>
    %sub3A_71 = vector.broadcast %multiple_of3A : i32 to vector<16xi32>
    %sub3A_72 = arith.subi %min3A_70, %sub3A_71 : vector<16xi32>
    %parallel_loop3A = arith.constant 0 : i32
    %parallel_loop3A_73 = arith.constant 80 : i32
    %parallel_loop3A_74 = arith.constant 1 : i32
    scf.for %parallel_loop3A_431 = %parallel_loop3A to %parallel_loop3A_73 step %parallel_loop3A_74  : i32 {
      %parallel_loop3A_432 = arith.constant 4 : i32
      %parallel_loop3A_433 = arith.muli %parallel_loop3A_431, %parallel_loop3A_432 : i32
      %parallel_loop3A_434 = vector.broadcast %parallel_loop3A_433 : i32 to vector<16xi32>
      %parallel_loop3A_435 = arith.addi %parallel_loop3A_434, %shift_right_arithmetic3A_29 : vector<16xi32>
      %parallel_loop3A_436 = arith.addi %parallel_loop3A_435, %select_n3A_55 : vector<16xi32>
      %parallel_loop3A_437 = arith.constant 0 : i32
      %parallel_loop3A_438 = vector.broadcast %parallel_loop3A_437 : i32 to vector<16xi32>
      %parallel_loop3A_439 = arith.cmpi sge, %parallel_loop3A_436, %parallel_loop3A_438 : vector<16xi32>
      %parallel_loop3A_440 = arith.andi %and3A_64, %parallel_loop3A_439 : vector<16xi1>
      %parallel_loop3A_441 = arith.constant 320 : i32
      %parallel_loop3A_442 = vector.broadcast %parallel_loop3A_441 : i32 to vector<16xi32>
      %parallel_loop3A_443 = arith.cmpi slt, %parallel_loop3A_436, %parallel_loop3A_442 : vector<16xi32>
      %parallel_loop3A_444 = arith.andi %parallel_loop3A_440, %parallel_loop3A_443 : vector<16xi1>
      %parallel_loop3A_445 = arith.constant 0 : i32
      %parallel_loop3A_446 = arith.constant 319 : i32
      %parallel_loop3A_447 = vector.broadcast %parallel_loop3A_445 : i32 to vector<16xi32>
      %parallel_loop3A_448 = arith.maxsi %parallel_loop3A_447, %parallel_loop3A_436 : vector<16xi32>
      %parallel_loop3A_449 = vector.broadcast %parallel_loop3A_446 : i32 to vector<16xi32>
      %parallel_loop3A_450 = arith.minsi %parallel_loop3A_449, %parallel_loop3A_448 : vector<16xi32>
      %parallel_loop3A_451 = tpu.vector_load_idx %arg4[%sub3A_72, %parallel_loop3A_450] : memref<24x320xf32, #tpu.memory_space<vmem>>[vector<16xi32>, vector<16xi32>], vector<16xf32>,
      %parallel_loop3A_452 = arith.constant 0.000000e+00 : f32
      %parallel_loop3A_453 = vector.broadcast %parallel_loop3A_452 : f32 to vector<16xf32>
      %parallel_loop3A_454 = arith.select %parallel_loop3A_444, %parallel_loop3A_451, %parallel_loop3A_453 : vector<16xi1>, vector<16xf32>
      %parallel_loop3A_455 = arith.constant 16 : i32
      %parallel_loop3A_456 = arith.muli %parallel_loop3A_431, %parallel_loop3A_455 : i32
      %parallel_loop3A_457 = arith.constant 0 : i32
      %parallel_loop3A_458 = arith.addi %parallel_loop3A_457, %parallel_loop3A_456 : i32
      %parallel_loop3A_459 = arith.index_cast %parallel_loop3A_458 : i32 to index
      %parallel_loop3A_460 = tpu.vector_load %arg5[%parallel_loop3A_459] {strides = array<i32>} : memref<12800xf32, #tpu.memory_space<vmem>>, vector<16xf32>,
      tpu.vector_store %arg5[%parallel_loop3A_459], %parallel_loop3A_454 {strides = array<i32>} : memref<12800xf32, #tpu.memory_space<vmem>>, vector<16xf32>,
    } {sc.loop_unroll_factor = 4 : i64, sc.parallel_access}
    %mul3A_75 = arith.constant 12800 : i32
    %mul3A_76 = arith.muli %add3A, %mul3A_75 : i32
    %add3A_77 = arith.constant 0 : i32
    %add3A_78 = arith.addi %mul3A_76, %add3A_77 : i32
    %dma_start3A = arith.constant 0 : i32
    %dma_start3A_79 = tpu.memref_slice %arg5[%dma_start3A] : memref<12800xf32, #tpu.memory_space<vmem>> -> memref<1280xf32, #tpu.memory_space<vmem>>
    %dma_start3A_80 = tpu.memref_slice %arg3[%add3A_78] : memref<409600xf32, #tpu.memory_space<hbm>> -> memref<1280xf32, #tpu.memory_space<hbm>>
    %dma_start3A_81 = tpu.memref_slice %arg3[%add3A_78] : memref<409600xf32, #tpu.memory_space<hbm>> -> memref<1280xf32, #tpu.memory_space<hbm>>
    %dma_start3A_82 = arith.constant 0 : i32
    %dma_start3A_83 = tpu.memref_slice %arg5[%dma_start3A_82] : memref<12800xf32, #tpu.memory_space<vmem>> -> memref<1280xf32, #tpu.memory_space<vmem>>
    tpu.enqueue_dma source(%dma_start3A_83 : memref<1280xf32, #tpu.memory_space<vmem>>) target(%dma_start3A_81 : memref<1280xf32, #tpu.memory_space<hbm>>) target_semaphore(%arg6 : memref<!tpu.dma_semaphore, #tpu.memory_space<semaphore_mem>>)
    %add3A_84 = arith.constant 1 : i32
    %add3A_85 = arith.addi %mul3A_2, %add3A_84 : i32
    %add3A_86 = vector.broadcast %add3A_85 : i32 to vector<16xi32>
    %add3A_87 = arith.addi %add3A_86, %select_n3A_41 : vector<16xi32>
    %ge3A_88 = arith.constant 0 : i32
    %ge3A_89 = vector.broadcast %ge3A_88 : i32 to vector<16xi32>
    %ge3A_90 = arith.cmpi sge, %add3A_87, %ge3A_89 : vector<16xi32>
    %lt3A_91 = arith.constant 320 : i32
    %lt3A_92 = vector.broadcast %lt3A_91 : i32 to vector<16xi32>
    %lt3A_93 = arith.cmpi slt, %add3A_87, %lt3A_92 : vector<16xi32>
    %and3A_94 = arith.andi %ge3A_90, %lt3A_93 : vector<16xi1>
    %jit3A_95 = arith.constant 0 : i32
    %jit3A_96 = arith.constant 319 : i32
    %max3A_97 = vector.broadcast %jit3A_95 : i32 to vector<16xi32>
    %max3A_98 = arith.maxsi %max3A_97, %add3A_87 : vector<16xi32>
    %min3A_99 = vector.broadcast %jit3A_96 : i32 to vector<16xi32>
    %min3A_100 = arith.minsi %min3A_99, %max3A_98 : vector<16xi32>
    %sub3A_101 = vector.broadcast %multiple_of3A : i32 to vector<16xi32>
    %sub3A_102 = arith.subi %min3A_100, %sub3A_101 : vector<16xi32>
    %parallel_loop3A_103 = arith.constant 0 : i32
    %parallel_loop3A_104 = arith.constant 80 : i32
    %parallel_loop3A_105 = arith.constant 1 : i32
    scf.for %parallel_loop3A_431 = %parallel_loop3A_103 to %parallel_loop3A_104 step %parallel_loop3A_105  : i32 {
      %parallel_loop3A_432 = arith.constant 4 : i32
      %parallel_loop3A_433 = arith.muli %parallel_loop3A_431, %parallel_loop3A_432 : i32
      %parallel_loop3A_434 = vector.broadcast %parallel_loop3A_433 : i32 to vector<16xi32>
      %parallel_loop3A_435 = arith.addi %parallel_loop3A_434, %shift_right_arithmetic3A_29 : vector<16xi32>
      %parallel_loop3A_436 = arith.addi %parallel_loop3A_435, %select_n3A_55 : vector<16xi32>
      %parallel_loop3A_437 = arith.constant 0 : i32
      %parallel_loop3A_438 = vector.broadcast %parallel_loop3A_437 : i32 to vector<16xi32>
      %parallel_loop3A_439 = arith.cmpi sge, %parallel_loop3A_436, %parallel_loop3A_438 : vector<16xi32>
      %parallel_loop3A_440 = arith.andi %and3A_94, %parallel_loop3A_439 : vector<16xi1>
      %parallel_loop3A_441 = arith.constant 320 : i32
      %parallel_loop3A_442 = vector.broadcast %parallel_loop3A_441 : i32 to vector<16xi32>
      %parallel_loop3A_443 = arith.cmpi slt, %parallel_loop3A_436, %parallel_loop3A_442 : vector<16xi32>
      %parallel_loop3A_444 = arith.andi %parallel_loop3A_440, %parallel_loop3A_443 : vector<16xi1>
      %parallel_loop3A_445 = arith.constant 0 : i32
      %parallel_loop3A_446 = arith.constant 319 : i32
      %parallel_loop3A_447 = vector.broadcast %parallel_loop3A_445 : i32 to vector<16xi32>
      %parallel_loop3A_448 = arith.maxsi %parallel_loop3A_447, %parallel_loop3A_436 : vector<16xi32>
      %parallel_loop3A_449 = vector.broadcast %parallel_loop3A_446 : i32 to vector<16xi32>
      %parallel_loop3A_450 = arith.minsi %parallel_loop3A_449, %parallel_loop3A_448 : vector<16xi32>
      %parallel_loop3A_451 = tpu.vector_load_idx %arg4[%sub3A_102, %parallel_loop3A_450] : memref<24x320xf32, #tpu.memory_space<vmem>>[vector<16xi32>, vector<16xi32>], vector<16xf32>,
      %parallel_loop3A_452 = arith.constant 0.000000e+00 : f32
      %parallel_loop3A_453 = vector.broadcast %parallel_loop3A_452 : f32 to vector<16xf32>
      %parallel_loop3A_454 = arith.select %parallel_loop3A_444, %parallel_loop3A_451, %parallel_loop3A_453 : vector<16xi1>, vector<16xf32>
      %parallel_loop3A_455 = arith.constant 16 : i32
      %parallel_loop3A_456 = arith.muli %parallel_loop3A_431, %parallel_loop3A_455 : i32
      %parallel_loop3A_457 = arith.constant 1280 : i32
      %parallel_loop3A_458 = arith.addi %parallel_loop3A_457, %parallel_loop3A_456 : i32
      %parallel_loop3A_459 = arith.index_cast %parallel_loop3A_458 : i32 to index
      %parallel_loop3A_460 = tpu.vector_load %arg5[%parallel_loop3A_459] {strides = array<i32>} : memref<12800xf32, #tpu.memory_space<vmem>>, vector<16xf32>,
      tpu.vector_store %arg5[%parallel_loop3A_459], %parallel_loop3A_454 {strides = array<i32>} : memref<12800xf32, #tpu.memory_space<vmem>>, vector<16xf32>,
    } {sc.loop_unroll_factor = 4 : i64, sc.parallel_access}
    %mul3A_106 = arith.constant 12800 : i32
    %mul3A_107 = arith.muli %add3A, %mul3A_106 : i32
    %add3A_108 = arith.constant 1280 : i32
    %add3A_109 = arith.addi %mul3A_107, %add3A_108 : i32
    %dma_start3A_110 = arith.constant 1280 : i32
    %dma_start3A_111 = tpu.memref_slice %arg5[%dma_start3A_110] : memref<12800xf32, #tpu.memory_space<vmem>> -> memref<1280xf32, #tpu.memory_space<vmem>>
    %dma_start3A_112 = tpu.memref_slice %arg3[%add3A_109] : memref<409600xf32, #tpu.memory_space<hbm>> -> memref<1280xf32, #tpu.memory_space<hbm>>
    %dma_start3A_113 = tpu.memref_slice %arg3[%add3A_109] : memref<409600xf32, #tpu.memory_space<hbm>> -> memref<1280xf32, #tpu.memory_space<hbm>>
    %dma_start3A_114 = arith.constant 1280 : i32
    %dma_start3A_115 = tpu.memref_slice %arg5[%dma_start3A_114] : memref<12800xf32, #tpu.memory_space<vmem>> -> memref<1280xf32, #tpu.memory_space<vmem>>
    tpu.enqueue_dma source(%dma_start3A_115 : memref<1280xf32, #tpu.memory_space<vmem>>) target(%dma_start3A_113 : memref<1280xf32, #tpu.memory_space<hbm>>) target_semaphore(%arg6 : memref<!tpu.dma_semaphore, #tpu.memory_space<semaphore_mem>>)
    %add3A_116 = arith.constant 2 : i32
    %add3A_117 = arith.addi %mul3A_2, %add3A_116 : i32
    %add3A_118 = vector.broadcast %add3A_117 : i32 to vector<16xi32>
    %add3A_119 = arith.addi %add3A_118, %select_n3A_41 : vector<16xi32>
    %ge3A_120 = arith.constant 0 : i32
    %ge3A_121 = vector.broadcast %ge3A_120 : i32 to vector<16xi32>
    %ge3A_122 = arith.cmpi sge, %add3A_119, %ge3A_121 : vector<16xi32>
    %lt3A_123 = arith.constant 320 : i32
    %lt3A_124 = vector.broadcast %lt3A_123 : i32 to vector<16xi32>
    %lt3A_125 = arith.cmpi slt, %add3A_119, %lt3A_124 : vector<16xi32>
    %and3A_126 = arith.andi %ge3A_122, %lt3A_125 : vector<16xi1>
    %jit3A_127 = arith.constant 0 : i32
    %jit3A_128 = arith.constant 319 : i32
    %max3A_129 = vector.broadcast %jit3A_127 : i32 to vector<16xi32>
    %max3A_130 = arith.maxsi %max3A_129, %add3A_119 : vector<16xi32>
    %min3A_131 = vector.broadcast %jit3A_128 : i32 to vector<16xi32>
    %min3A_132 = arith.minsi %min3A_131, %max3A_130 : vector<16xi32>
    %sub3A_133 = vector.broadcast %multiple_of3A : i32 to vector<16xi32>
    %sub3A_134 = arith.subi %min3A_132, %sub3A_133 : vector<16xi32>
    %parallel_loop3A_135 = arith.constant 0 : i32
    %parallel_loop3A_136 = arith.constant 80 : i32
    %parallel_loop3A_137 = arith.constant 1 : i32
    scf.for %parallel_loop3A_431 = %parallel_loop3A_135 to %parallel_loop3A_136 step %parallel_loop3A_137  : i32 {
      %parallel_loop3A_432 = arith.constant 4 : i32
      %parallel_loop3A_433 = arith.muli %parallel_loop3A_431, %parallel_loop3A_432 : i32
      %parallel_loop3A_434 = vector.broadcast %parallel_loop3A_433 : i32 to vector<16xi32>
      %parallel_loop3A_435 = arith.addi %parallel_loop3A_434, %shift_right_arithmetic3A_29 : vector<16xi32>
      %parallel_loop3A_436 = arith.addi %parallel_loop3A_435, %select_n3A_55 : vector<16xi32>
      %parallel_loop3A_437 = arith.constant 0 : i32
      %parallel_loop3A_438 = vector.broadcast %parallel_loop3A_437 : i32 to vector<16xi32>
      %parallel_loop3A_439 = arith.cmpi sge, %parallel_loop3A_436, %parallel_loop3A_438 : vector<16xi32>
      %parallel_loop3A_440 = arith.andi %and3A_126, %parallel_loop3A_439 : vector<16xi1>
      %parallel_loop3A_441 = arith.constant 320 : i32
      %parallel_loop3A_442 = vector.broadcast %parallel_loop3A_441 : i32 to vector<16xi32>
      %parallel_loop3A_443 = arith.cmpi slt, %parallel_loop3A_436, %parallel_loop3A_442 : vector<16xi32>
      %parallel_loop3A_444 = arith.andi %parallel_loop3A_440, %parallel_loop3A_443 : vector<16xi1>
      %parallel_loop3A_445 = arith.constant 0 : i32
      %parallel_loop3A_446 = arith.constant 319 : i32
      %parallel_loop3A_447 = vector.broadcast %parallel_loop3A_445 : i32 to vector<16xi32>
      %parallel_loop3A_448 = arith.maxsi %parallel_loop3A_447, %parallel_loop3A_436 : vector<16xi32>
      %parallel_loop3A_449 = vector.broadcast %parallel_loop3A_446 : i32 to vector<16xi32>
      %parallel_loop3A_450 = arith.minsi %parallel_loop3A_449, %parallel_loop3A_448 : vector<16xi32>
      %parallel_loop3A_451 = tpu.vector_load_idx %arg4[%sub3A_134, %parallel_loop3A_450] : memref<24x320xf32, #tpu.memory_space<vmem>>[vector<16xi32>, vector<16xi32>], vector<16xf32>,
      %parallel_loop3A_452 = arith.constant 0.000000e+00 : f32
      %parallel_loop3A_453 = vector.broadcast %parallel_loop3A_452 : f32 to vector<16xf32>
      %parallel_loop3A_454 = arith.select %parallel_loop3A_444, %parallel_loop3A_451, %parallel_loop3A_453 : vector<16xi1>, vector<16xf32>
      %parallel_loop3A_455 = arith.constant 16 : i32
      %parallel_loop3A_456 = arith.muli %parallel_loop3A_431, %parallel_loop3A_455 : i32
      %parallel_loop3A_457 = arith.constant 2560 : i32
      %parallel_loop3A_458 = arith.addi %parallel_loop3A_457, %parallel_loop3A_456 : i32
      %parallel_loop3A_459 = arith.index_cast %parallel_loop3A_458 : i32 to index
      %parallel_loop3A_460 = tpu.vector_load %arg5[%parallel_loop3A_459] {strides = array<i32>} : memref<12800xf32, #tpu.memory_space<vmem>>, vector<16xf32>,
      tpu.vector_store %arg5[%parallel_loop3A_459], %parallel_loop3A_454 {strides = array<i32>} : memref<12800xf32, #tpu.memory_space<vmem>>, vector<16xf32>,
    } {sc.loop_unroll_factor = 4 : i64, sc.parallel_access}
    %mul3A_138 = arith.constant 12800 : i32
    %mul3A_139 = arith.muli %add3A, %mul3A_138 : i32
    %add3A_140 = arith.constant 2560 : i32
    %add3A_141 = arith.addi %mul3A_139, %add3A_140 : i32
    %dma_start3A_142 = arith.constant 2560 : i32
    %dma_start3A_143 = tpu.memref_slice %arg5[%dma_start3A_142] : memref<12800xf32, #tpu.memory_space<vmem>> -> memref<1280xf32, #tpu.memory_space<vmem>>
    %dma_start3A_144 = tpu.memref_slice %arg3[%add3A_141] : memref<409600xf32, #tpu.memory_space<hbm>> -> memref<1280xf32, #tpu.memory_space<hbm>>
    %dma_start3A_145 = tpu.memref_slice %arg3[%add3A_141] : memref<409600xf32, #tpu.memory_space<hbm>> -> memref<1280xf32, #tpu.memory_space<hbm>>
    %dma_start3A_146 = arith.constant 2560 : i32
    %dma_start3A_147 = tpu.memref_slice %arg5[%dma_start3A_146] : memref<12800xf32, #tpu.memory_space<vmem>> -> memref<1280xf32, #tpu.memory_space<vmem>>
    tpu.enqueue_dma source(%dma_start3A_147 : memref<1280xf32, #tpu.memory_space<vmem>>) target(%dma_start3A_145 : memref<1280xf32, #tpu.memory_space<hbm>>) target_semaphore(%arg6 : memref<!tpu.dma_semaphore, #tpu.memory_space<semaphore_mem>>)
    %add3A_148 = arith.constant 3 : i32
    %add3A_149 = arith.addi %mul3A_2, %add3A_148 : i32
    %add3A_150 = vector.broadcast %add3A_149 : i32 to vector<16xi32>
    %add3A_151 = arith.addi %add3A_150, %select_n3A_41 : vector<16xi32>
    %ge3A_152 = arith.constant 0 : i32
    %ge3A_153 = vector.broadcast %ge3A_152 : i32 to vector<16xi32>
    %ge3A_154 = arith.cmpi sge, %add3A_151, %ge3A_153 : vector<16xi32>
    %lt3A_155 = arith.constant 320 : i32
    %lt3A_156 = vector.broadcast %lt3A_155 : i32 to vector<16xi32>
    %lt3A_157 = arith.cmpi slt, %add3A_151, %lt3A_156 : vector<16xi32>
    %and3A_158 = arith.andi %ge3A_154, %lt3A_157 : vector<16xi1>
    %jit3A_159 = arith.constant 0 : i32
    %jit3A_160 = arith.constant 319 : i32
    %max3A_161 = vector.broadcast %jit3A_159 : i32 to vector<16xi32>
    %max3A_162 = arith.maxsi %max3A_161, %add3A_151 : vector<16xi32>
    %min3A_163 = vector.broadcast %jit3A_160 : i32 to vector<16xi32>
    %min3A_164 = arith.minsi %min3A_163, %max3A_162 : vector<16xi32>
    %sub3A_165 = vector.broadcast %multiple_of3A : i32 to vector<16xi32>
    %sub3A_166 = arith.subi %min3A_164, %sub3A_165 : vector<16xi32>
    %parallel_loop3A_167 = arith.constant 0 : i32
    %parallel_loop3A_168 = arith.constant 80 : i32
    %parallel_loop3A_169 = arith.constant 1 : i32
    scf.for %parallel_loop3A_431 = %parallel_loop3A_167 to %parallel_loop3A_168 step %parallel_loop3A_169  : i32 {
      %parallel_loop3A_432 = arith.constant 4 : i32
      %parallel_loop3A_433 = arith.muli %parallel_loop3A_431, %parallel_loop3A_432 : i32
      %parallel_loop3A_434 = vector.broadcast %parallel_loop3A_433 : i32 to vector<16xi32>
      %parallel_loop3A_435 = arith.addi %parallel_loop3A_434, %shift_right_arithmetic3A_29 : vector<16xi32>
      %parallel_loop3A_436 = arith.addi %parallel_loop3A_435, %select_n3A_55 : vector<16xi32>
      %parallel_loop3A_437 = arith.constant 0 : i32
      %parallel_loop3A_438 = vector.broadcast %parallel_loop3A_437 : i32 to vector<16xi32>
      %parallel_loop3A_439 = arith.cmpi sge, %parallel_loop3A_436, %parallel_loop3A_438 : vector<16xi32>
      %parallel_loop3A_440 = arith.andi %and3A_158, %parallel_loop3A_439 : vector<16xi1>
      %parallel_loop3A_441 = arith.constant 320 : i32
      %parallel_loop3A_442 = vector.broadcast %parallel_loop3A_441 : i32 to vector<16xi32>
      %parallel_loop3A_443 = arith.cmpi slt, %parallel_loop3A_436, %parallel_loop3A_442 : vector<16xi32>
      %parallel_loop3A_444 = arith.andi %parallel_loop3A_440, %parallel_loop3A_443 : vector<16xi1>
      %parallel_loop3A_445 = arith.constant 0 : i32
      %parallel_loop3A_446 = arith.constant 319 : i32
      %parallel_loop3A_447 = vector.broadcast %parallel_loop3A_445 : i32 to vector<16xi32>
      %parallel_loop3A_448 = arith.maxsi %parallel_loop3A_447, %parallel_loop3A_436 : vector<16xi32>
      %parallel_loop3A_449 = vector.broadcast %parallel_loop3A_446 : i32 to vector<16xi32>
      %parallel_loop3A_450 = arith.minsi %parallel_loop3A_449, %parallel_loop3A_448 : vector<16xi32>
      %parallel_loop3A_451 = tpu.vector_load_idx %arg4[%sub3A_166, %parallel_loop3A_450] : memref<24x320xf32, #tpu.memory_space<vmem>>[vector<16xi32>, vector<16xi32>], vector<16xf32>,
      %parallel_loop3A_452 = arith.constant 0.000000e+00 : f32
      %parallel_loop3A_453 = vector.broadcast %parallel_loop3A_452 : f32 to vector<16xf32>
      %parallel_loop3A_454 = arith.select %parallel_loop3A_444, %parallel_loop3A_451, %parallel_loop3A_453 : vector<16xi1>, vector<16xf32>
      %parallel_loop3A_455 = arith.constant 16 : i32
      %parallel_loop3A_456 = arith.muli %parallel_loop3A_431, %parallel_loop3A_455 : i32
      %parallel_loop3A_457 = arith.constant 3840 : i32
      %parallel_loop3A_458 = arith.addi %parallel_loop3A_457, %parallel_loop3A_456 : i32
      %parallel_loop3A_459 = arith.index_cast %parallel_loop3A_458 : i32 to index
      %parallel_loop3A_460 = tpu.vector_load %arg5[%parallel_loop3A_459] {strides = array<i32>} : memref<12800xf32, #tpu.memory_space<vmem>>, vector<16xf32>,
      tpu.vector_store %arg5[%parallel_loop3A_459], %parallel_loop3A_454 {strides = array<i32>} : memref<12800xf32, #tpu.memory_space<vmem>>, vector<16xf32>,
    } {sc.loop_unroll_factor = 4 : i64, sc.parallel_access}
    %mul3A_170 = arith.constant 12800 : i32
    %mul3A_171 = arith.muli %add3A, %mul3A_170 : i32
    %add3A_172 = arith.constant 3840 : i32
    %add3A_173 = arith.addi %mul3A_171, %add3A_172 : i32
    %dma_start3A_174 = arith.constant 3840 : i32
    %dma_start3A_175 = tpu.memref_slice %arg5[%dma_start3A_174] : memref<12800xf32, #tpu.memory_space<vmem>> -> memref<1280xf32, #tpu.memory_space<vmem>>
    %dma_start3A_176 = tpu.memref_slice %arg3[%add3A_173] : memref<409600xf32, #tpu.memory_space<hbm>> -> memref<1280xf32, #tpu.memory_space<hbm>>
    %dma_start3A_177 = tpu.memref_slice %arg3[%add3A_173] : memref<409600xf32, #tpu.memory_space<hbm>> -> memref<1280xf32, #tpu.memory_space<hbm>>
    %dma_start3A_178 = arith.constant 3840 : i32
    %dma_start3A_179 = tpu.memref_slice %arg5[%dma_start3A_178] : memref<12800xf32, #tpu.memory_space<vmem>> -> memref<1280xf32, #tpu.memory_space<vmem>>
    tpu.enqueue_dma source(%dma_start3A_179 : memref<1280xf32, #tpu.memory_space<vmem>>) target(%dma_start3A_177 : memref<1280xf32, #tpu.memory_space<hbm>>) target_semaphore(%arg6 : memref<!tpu.dma_semaphore, #tpu.memory_space<semaphore_mem>>)
    %add3A_180 = arith.constant 4 : i32
    %add3A_181 = arith.addi %mul3A_2, %add3A_180 : i32
    %add3A_182 = vector.broadcast %add3A_181 : i32 to vector<16xi32>
    %add3A_183 = arith.addi %add3A_182, %select_n3A_41 : vector<16xi32>
    %ge3A_184 = arith.constant 0 : i32
    %ge3A_185 = vector.broadcast %ge3A_184 : i32 to vector<16xi32>
    %ge3A_186 = arith.cmpi sge, %add3A_183, %ge3A_185 : vector<16xi32>
    %lt3A_187 = arith.constant 320 : i32
    %lt3A_188 = vector.broadcast %lt3A_187 : i32 to vector<16xi32>
    %lt3A_189 = arith.cmpi slt, %add3A_183, %lt3A_188 : vector<16xi32>
    %and3A_190 = arith.andi %ge3A_186, %lt3A_189 : vector<16xi1>
    %jit3A_191 = arith.constant 0 : i32
    %jit3A_192 = arith.constant 319 : i32
    %max3A_193 = vector.broadcast %jit3A_191 : i32 to vector<16xi32>
    %max3A_194 = arith.maxsi %max3A_193, %add3A_183 : vector<16xi32>
    %min3A_195 = vector.broadcast %jit3A_192 : i32 to vector<16xi32>
    %min3A_196 = arith.minsi %min3A_195, %max3A_194 : vector<16xi32>
    %sub3A_197 = vector.broadcast %multiple_of3A : i32 to vector<16xi32>
    %sub3A_198 = arith.subi %min3A_196, %sub3A_197 : vector<16xi32>
    %parallel_loop3A_199 = arith.constant 0 : i32
    %parallel_loop3A_200 = arith.constant 80 : i32
    %parallel_loop3A_201 = arith.constant 1 : i32
    scf.for %parallel_loop3A_431 = %parallel_loop3A_199 to %parallel_loop3A_200 step %parallel_loop3A_201  : i32 {
      %parallel_loop3A_432 = arith.constant 4 : i32
      %parallel_loop3A_433 = arith.muli %parallel_loop3A_431, %parallel_loop3A_432 : i32
      %parallel_loop3A_434 = vector.broadcast %parallel_loop3A_433 : i32 to vector<16xi32>
      %parallel_loop3A_435 = arith.addi %parallel_loop3A_434, %shift_right_arithmetic3A_29 : vector<16xi32>
      %parallel_loop3A_436 = arith.addi %parallel_loop3A_435, %select_n3A_55 : vector<16xi32>
      %parallel_loop3A_437 = arith.constant 0 : i32
      %parallel_loop3A_438 = vector.broadcast %parallel_loop3A_437 : i32 to vector<16xi32>
      %parallel_loop3A_439 = arith.cmpi sge, %parallel_loop3A_436, %parallel_loop3A_438 : vector<16xi32>
      %parallel_loop3A_440 = arith.andi %and3A_190, %parallel_loop3A_439 : vector<16xi1>
      %parallel_loop3A_441 = arith.constant 320 : i32
      %parallel_loop3A_442 = vector.broadcast %parallel_loop3A_441 : i32 to vector<16xi32>
      %parallel_loop3A_443 = arith.cmpi slt, %parallel_loop3A_436, %parallel_loop3A_442 : vector<16xi32>
      %parallel_loop3A_444 = arith.andi %parallel_loop3A_440, %parallel_loop3A_443 : vector<16xi1>
      %parallel_loop3A_445 = arith.constant 0 : i32
      %parallel_loop3A_446 = arith.constant 319 : i32
      %parallel_loop3A_447 = vector.broadcast %parallel_loop3A_445 : i32 to vector<16xi32>
      %parallel_loop3A_448 = arith.maxsi %parallel_loop3A_447, %parallel_loop3A_436 : vector<16xi32>
      %parallel_loop3A_449 = vector.broadcast %parallel_loop3A_446 : i32 to vector<16xi32>
      %parallel_loop3A_450 = arith.minsi %parallel_loop3A_449, %parallel_loop3A_448 : vector<16xi32>
      %parallel_loop3A_451 = tpu.vector_load_idx %arg4[%sub3A_198, %parallel_loop3A_450] : memref<24x320xf32, #tpu.memory_space<vmem>>[vector<16xi32>, vector<16xi32>], vector<16xf32>,
      %parallel_loop3A_452 = arith.constant 0.000000e+00 : f32
      %parallel_loop3A_453 = vector.broadcast %parallel_loop3A_452 : f32 to vector<16xf32>
      %parallel_loop3A_454 = arith.select %parallel_loop3A_444, %parallel_loop3A_451, %parallel_loop3A_453 : vector<16xi1>, vector<16xf32>
      %parallel_loop3A_455 = arith.constant 16 : i32
      %parallel_loop3A_456 = arith.muli %parallel_loop3A_431, %parallel_loop3A_455 : i32
      %parallel_loop3A_457 = arith.constant 5120 : i32
      %parallel_loop3A_458 = arith.addi %parallel_loop3A_457, %parallel_loop3A_456 : i32
      %parallel_loop3A_459 = arith.index_cast %parallel_loop3A_458 : i32 to index
      %parallel_loop3A_460 = tpu.vector_load %arg5[%parallel_loop3A_459] {strides = array<i32>} : memref<12800xf32, #tpu.memory_space<vmem>>, vector<16xf32>,
      tpu.vector_store %arg5[%parallel_loop3A_459], %parallel_loop3A_454 {strides = array<i32>} : memref<12800xf32, #tpu.memory_space<vmem>>, vector<16xf32>,
    } {sc.loop_unroll_factor = 4 : i64, sc.parallel_access}
    %mul3A_202 = arith.constant 12800 : i32
    %mul3A_203 = arith.muli %add3A, %mul3A_202 : i32
    %add3A_204 = arith.constant 5120 : i32
    %add3A_205 = arith.addi %mul3A_203, %add3A_204 : i32
    %dma_start3A_206 = arith.constant 5120 : i32
    %dma_start3A_207 = tpu.memref_slice %arg5[%dma_start3A_206] : memref<12800xf32, #tpu.memory_space<vmem>> -> memref<1280xf32, #tpu.memory_space<vmem>>
    %dma_start3A_208 = tpu.memref_slice %arg3[%add3A_205] : memref<409600xf32, #tpu.memory_space<hbm>> -> memref<1280xf32, #tpu.memory_space<hbm>>
    %dma_start3A_209 = tpu.memref_slice %arg3[%add3A_205] : memref<409600xf32, #tpu.memory_space<hbm>> -> memref<1280xf32, #tpu.memory_space<hbm>>
    %dma_start3A_210 = arith.constant 5120 : i32
    %dma_start3A_211 = tpu.memref_slice %arg5[%dma_start3A_210] : memref<12800xf32, #tpu.memory_space<vmem>> -> memref<1280xf32, #tpu.memory_space<vmem>>
    tpu.enqueue_dma source(%dma_start3A_211 : memref<1280xf32, #tpu.memory_space<vmem>>) target(%dma_start3A_209 : memref<1280xf32, #tpu.memory_space<hbm>>) target_semaphore(%arg6 : memref<!tpu.dma_semaphore, #tpu.memory_space<semaphore_mem>>)
    %add3A_212 = arith.constant 5 : i32
    %add3A_213 = arith.addi %mul3A_2, %add3A_212 : i32
    %add3A_214 = vector.broadcast %add3A_213 : i32 to vector<16xi32>
    %add3A_215 = arith.addi %add3A_214, %select_n3A_41 : vector<16xi32>
    %ge3A_216 = arith.constant 0 : i32
    %ge3A_217 = vector.broadcast %ge3A_216 : i32 to vector<16xi32>
    %ge3A_218 = arith.cmpi sge, %add3A_215, %ge3A_217 : vector<16xi32>
    %lt3A_219 = arith.constant 320 : i32
    %lt3A_220 = vector.broadcast %lt3A_219 : i32 to vector<16xi32>
    %lt3A_221 = arith.cmpi slt, %add3A_215, %lt3A_220 : vector<16xi32>
    %and3A_222 = arith.andi %ge3A_218, %lt3A_221 : vector<16xi1>
    %jit3A_223 = arith.constant 0 : i32
    %jit3A_224 = arith.constant 319 : i32
    %max3A_225 = vector.broadcast %jit3A_223 : i32 to vector<16xi32>
    %max3A_226 = arith.maxsi %max3A_225, %add3A_215 : vector<16xi32>
    %min3A_227 = vector.broadcast %jit3A_224 : i32 to vector<16xi32>
    %min3A_228 = arith.minsi %min3A_227, %max3A_226 : vector<16xi32>
    %sub3A_229 = vector.broadcast %multiple_of3A : i32 to vector<16xi32>
    %sub3A_230 = arith.subi %min3A_228, %sub3A_229 : vector<16xi32>
    %parallel_loop3A_231 = arith.constant 0 : i32
    %parallel_loop3A_232 = arith.constant 80 : i32
    %parallel_loop3A_233 = arith.constant 1 : i32
    scf.for %parallel_loop3A_431 = %parallel_loop3A_231 to %parallel_loop3A_232 step %parallel_loop3A_233  : i32 {
      %parallel_loop3A_432 = arith.constant 4 : i32
      %parallel_loop3A_433 = arith.muli %parallel_loop3A_431, %parallel_loop3A_432 : i32
      %parallel_loop3A_434 = vector.broadcast %parallel_loop3A_433 : i32 to vector<16xi32>
      %parallel_loop3A_435 = arith.addi %parallel_loop3A_434, %shift_right_arithmetic3A_29 : vector<16xi32>
      %parallel_loop3A_436 = arith.addi %parallel_loop3A_435, %select_n3A_55 : vector<16xi32>
      %parallel_loop3A_437 = arith.constant 0 : i32
      %parallel_loop3A_438 = vector.broadcast %parallel_loop3A_437 : i32 to vector<16xi32>
      %parallel_loop3A_439 = arith.cmpi sge, %parallel_loop3A_436, %parallel_loop3A_438 : vector<16xi32>
      %parallel_loop3A_440 = arith.andi %and3A_222, %parallel_loop3A_439 : vector<16xi1>
      %parallel_loop3A_441 = arith.constant 320 : i32
      %parallel_loop3A_442 = vector.broadcast %parallel_loop3A_441 : i32 to vector<16xi32>
      %parallel_loop3A_443 = arith.cmpi slt, %parallel_loop3A_436, %parallel_loop3A_442 : vector<16xi32>
      %parallel_loop3A_444 = arith.andi %parallel_loop3A_440, %parallel_loop3A_443 : vector<16xi1>
      %parallel_loop3A_445 = arith.constant 0 : i32
      %parallel_loop3A_446 = arith.constant 319 : i32
      %parallel_loop3A_447 = vector.broadcast %parallel_loop3A_445 : i32 to vector<16xi32>
      %parallel_loop3A_448 = arith.maxsi %parallel_loop3A_447, %parallel_loop3A_436 : vector<16xi32>
      %parallel_loop3A_449 = vector.broadcast %parallel_loop3A_446 : i32 to vector<16xi32>
      %parallel_loop3A_450 = arith.minsi %parallel_loop3A_449, %parallel_loop3A_448 : vector<16xi32>
      %parallel_loop3A_451 = tpu.vector_load_idx %arg4[%sub3A_230, %parallel_loop3A_450] : memref<24x320xf32, #tpu.memory_space<vmem>>[vector<16xi32>, vector<16xi32>], vector<16xf32>,
      %parallel_loop3A_452 = arith.constant 0.000000e+00 : f32
      %parallel_loop3A_453 = vector.broadcast %parallel_loop3A_452 : f32 to vector<16xf32>
      %parallel_loop3A_454 = arith.select %parallel_loop3A_444, %parallel_loop3A_451, %parallel_loop3A_453 : vector<16xi1>, vector<16xf32>
      %parallel_loop3A_455 = arith.constant 16 : i32
      %parallel_loop3A_456 = arith.muli %parallel_loop3A_431, %parallel_loop3A_455 : i32
      %parallel_loop3A_457 = arith.constant 6400 : i32
      %parallel_loop3A_458 = arith.addi %parallel_loop3A_457, %parallel_loop3A_456 : i32
      %parallel_loop3A_459 = arith.index_cast %parallel_loop3A_458 : i32 to index
      %parallel_loop3A_460 = tpu.vector_load %arg5[%parallel_loop3A_459] {strides = array<i32>} : memref<12800xf32, #tpu.memory_space<vmem>>, vector<16xf32>,
      tpu.vector_store %arg5[%parallel_loop3A_459], %parallel_loop3A_454 {strides = array<i32>} : memref<12800xf32, #tpu.memory_space<vmem>>, vector<16xf32>,
    } {sc.loop_unroll_factor = 4 : i64, sc.parallel_access}
    %mul3A_234 = arith.constant 12800 : i32
    %mul3A_235 = arith.muli %add3A, %mul3A_234 : i32
    %add3A_236 = arith.constant 6400 : i32
    %add3A_237 = arith.addi %mul3A_235, %add3A_236 : i32
    %dma_start3A_238 = arith.constant 6400 : i32
    %dma_start3A_239 = tpu.memref_slice %arg5[%dma_start3A_238] : memref<12800xf32, #tpu.memory_space<vmem>> -> memref<1280xf32, #tpu.memory_space<vmem>>
    %dma_start3A_240 = tpu.memref_slice %arg3[%add3A_237] : memref<409600xf32, #tpu.memory_space<hbm>> -> memref<1280xf32, #tpu.memory_space<hbm>>
    %dma_start3A_241 = tpu.memref_slice %arg3[%add3A_237] : memref<409600xf32, #tpu.memory_space<hbm>> -> memref<1280xf32, #tpu.memory_space<hbm>>
    %dma_start3A_242 = arith.constant 6400 : i32
    %dma_start3A_243 = tpu.memref_slice %arg5[%dma_start3A_242] : memref<12800xf32, #tpu.memory_space<vmem>> -> memref<1280xf32, #tpu.memory_space<vmem>>
    tpu.enqueue_dma source(%dma_start3A_243 : memref<1280xf32, #tpu.memory_space<vmem>>) target(%dma_start3A_241 : memref<1280xf32, #tpu.memory_space<hbm>>) target_semaphore(%arg6 : memref<!tpu.dma_semaphore, #tpu.memory_space<semaphore_mem>>)
    %add3A_244 = arith.constant 6 : i32
    %add3A_245 = arith.addi %mul3A_2, %add3A_244 : i32
    %add3A_246 = vector.broadcast %add3A_245 : i32 to vector<16xi32>
    %add3A_247 = arith.addi %add3A_246, %select_n3A_41 : vector<16xi32>
    %ge3A_248 = arith.constant 0 : i32
    %ge3A_249 = vector.broadcast %ge3A_248 : i32 to vector<16xi32>
    %ge3A_250 = arith.cmpi sge, %add3A_247, %ge3A_249 : vector<16xi32>
    %lt3A_251 = arith.constant 320 : i32
    %lt3A_252 = vector.broadcast %lt3A_251 : i32 to vector<16xi32>
    %lt3A_253 = arith.cmpi slt, %add3A_247, %lt3A_252 : vector<16xi32>
    %and3A_254 = arith.andi %ge3A_250, %lt3A_253 : vector<16xi1>
    %jit3A_255 = arith.constant 0 : i32
    %jit3A_256 = arith.constant 319 : i32
    %max3A_257 = vector.broadcast %jit3A_255 : i32 to vector<16xi32>
    %max3A_258 = arith.maxsi %max3A_257, %add3A_247 : vector<16xi32>
    %min3A_259 = vector.broadcast %jit3A_256 : i32 to vector<16xi32>
    %min3A_260 = arith.minsi %min3A_259, %max3A_258 : vector<16xi32>
    %sub3A_261 = vector.broadcast %multiple_of3A : i32 to vector<16xi32>
    %sub3A_262 = arith.subi %min3A_260, %sub3A_261 : vector<16xi32>
    %parallel_loop3A_263 = arith.constant 0 : i32
    %parallel_loop3A_264 = arith.constant 80 : i32
    %parallel_loop3A_265 = arith.constant 1 : i32
    scf.for %parallel_loop3A_431 = %parallel_loop3A_263 to %parallel_loop3A_264 step %parallel_loop3A_265  : i32 {
      %parallel_loop3A_432 = arith.constant 4 : i32
      %parallel_loop3A_433 = arith.muli %parallel_loop3A_431, %parallel_loop3A_432 : i32
      %parallel_loop3A_434 = vector.broadcast %parallel_loop3A_433 : i32 to vector<16xi32>
      %parallel_loop3A_435 = arith.addi %parallel_loop3A_434, %shift_right_arithmetic3A_29 : vector<16xi32>
      %parallel_loop3A_436 = arith.addi %parallel_loop3A_435, %select_n3A_55 : vector<16xi32>
      %parallel_loop3A_437 = arith.constant 0 : i32
      %parallel_loop3A_438 = vector.broadcast %parallel_loop3A_437 : i32 to vector<16xi32>
      %parallel_loop3A_439 = arith.cmpi sge, %parallel_loop3A_436, %parallel_loop3A_438 : vector<16xi32>
      %parallel_loop3A_440 = arith.andi %and3A_254, %parallel_loop3A_439 : vector<16xi1>
      %parallel_loop3A_441 = arith.constant 320 : i32
      %parallel_loop3A_442 = vector.broadcast %parallel_loop3A_441 : i32 to vector<16xi32>
      %parallel_loop3A_443 = arith.cmpi slt, %parallel_loop3A_436, %parallel_loop3A_442 : vector<16xi32>
      %parallel_loop3A_444 = arith.andi %parallel_loop3A_440, %parallel_loop3A_443 : vector<16xi1>
      %parallel_loop3A_445 = arith.constant 0 : i32
      %parallel_loop3A_446 = arith.constant 319 : i32
      %parallel_loop3A_447 = vector.broadcast %parallel_loop3A_445 : i32 to vector<16xi32>
      %parallel_loop3A_448 = arith.maxsi %parallel_loop3A_447, %parallel_loop3A_436 : vector<16xi32>
      %parallel_loop3A_449 = vector.broadcast %parallel_loop3A_446 : i32 to vector<16xi32>
      %parallel_loop3A_450 = arith.minsi %parallel_loop3A_449, %parallel_loop3A_448 : vector<16xi32>
      %parallel_loop3A_451 = tpu.vector_load_idx %arg4[%sub3A_262, %parallel_loop3A_450] : memref<24x320xf32, #tpu.memory_space<vmem>>[vector<16xi32>, vector<16xi32>], vector<16xf32>,
      %parallel_loop3A_452 = arith.constant 0.000000e+00 : f32
      %parallel_loop3A_453 = vector.broadcast %parallel_loop3A_452 : f32 to vector<16xf32>
      %parallel_loop3A_454 = arith.select %parallel_loop3A_444, %parallel_loop3A_451, %parallel_loop3A_453 : vector<16xi1>, vector<16xf32>
      %parallel_loop3A_455 = arith.constant 16 : i32
      %parallel_loop3A_456 = arith.muli %parallel_loop3A_431, %parallel_loop3A_455 : i32
      %parallel_loop3A_457 = arith.constant 7680 : i32
      %parallel_loop3A_458 = arith.addi %parallel_loop3A_457, %parallel_loop3A_456 : i32
      %parallel_loop3A_459 = arith.index_cast %parallel_loop3A_458 : i32 to index
      %parallel_loop3A_460 = tpu.vector_load %arg5[%parallel_loop3A_459] {strides = array<i32>} : memref<12800xf32, #tpu.memory_space<vmem>>, vector<16xf32>,
      tpu.vector_store %arg5[%parallel_loop3A_459], %parallel_loop3A_454 {strides = array<i32>} : memref<12800xf32, #tpu.memory_space<vmem>>, vector<16xf32>,
    } {sc.loop_unroll_factor = 4 : i64, sc.parallel_access}
    %mul3A_266 = arith.constant 12800 : i32
    %mul3A_267 = arith.muli %add3A, %mul3A_266 : i32
    %add3A_268 = arith.constant 7680 : i32
    %add3A_269 = arith.addi %mul3A_267, %add3A_268 : i32
    %dma_start3A_270 = arith.constant 7680 : i32
    %dma_start3A_271 = tpu.memref_slice %arg5[%dma_start3A_270] : memref<12800xf32, #tpu.memory_space<vmem>> -> memref<1280xf32, #tpu.memory_space<vmem>>
    %dma_start3A_272 = tpu.memref_slice %arg3[%add3A_269] : memref<409600xf32, #tpu.memory_space<hbm>> -> memref<1280xf32, #tpu.memory_space<hbm>>
    %dma_start3A_273 = tpu.memref_slice %arg3[%add3A_269] : memref<409600xf32, #tpu.memory_space<hbm>> -> memref<1280xf32, #tpu.memory_space<hbm>>
    %dma_start3A_274 = arith.constant 7680 : i32
    %dma_start3A_275 = tpu.memref_slice %arg5[%dma_start3A_274] : memref<12800xf32, #tpu.memory_space<vmem>> -> memref<1280xf32, #tpu.memory_space<vmem>>
    tpu.enqueue_dma source(%dma_start3A_275 : memref<1280xf32, #tpu.memory_space<vmem>>) target(%dma_start3A_273 : memref<1280xf32, #tpu.memory_space<hbm>>) target_semaphore(%arg6 : memref<!tpu.dma_semaphore, #tpu.memory_space<semaphore_mem>>)
    %add3A_276 = arith.constant 7 : i32
    %add3A_277 = arith.addi %mul3A_2, %add3A_276 : i32
    %add3A_278 = vector.broadcast %add3A_277 : i32 to vector<16xi32>
    %add3A_279 = arith.addi %add3A_278, %select_n3A_41 : vector<16xi32>
    %ge3A_280 = arith.constant 0 : i32
    %ge3A_281 = vector.broadcast %ge3A_280 : i32 to vector<16xi32>
    %ge3A_282 = arith.cmpi sge, %add3A_279, %ge3A_281 : vector<16xi32>
    %lt3A_283 = arith.constant 320 : i32
    %lt3A_284 = vector.broadcast %lt3A_283 : i32 to vector<16xi32>
    %lt3A_285 = arith.cmpi slt, %add3A_279, %lt3A_284 : vector<16xi32>
    %and3A_286 = arith.andi %ge3A_282, %lt3A_285 : vector<16xi1>
    %jit3A_287 = arith.constant 0 : i32
    %jit3A_288 = arith.constant 319 : i32
    %max3A_289 = vector.broadcast %jit3A_287 : i32 to vector<16xi32>
    %max3A_290 = arith.maxsi %max3A_289, %add3A_279 : vector<16xi32>
    %min3A_291 = vector.broadcast %jit3A_288 : i32 to vector<16xi32>
    %min3A_292 = arith.minsi %min3A_291, %max3A_290 : vector<16xi32>
    %sub3A_293 = vector.broadcast %multiple_of3A : i32 to vector<16xi32>
    %sub3A_294 = arith.subi %min3A_292, %sub3A_293 : vector<16xi32>
    %parallel_loop3A_295 = arith.constant 0 : i32
    %parallel_loop3A_296 = arith.constant 80 : i32
    %parallel_loop3A_297 = arith.constant 1 : i32
    scf.for %parallel_loop3A_431 = %parallel_loop3A_295 to %parallel_loop3A_296 step %parallel_loop3A_297  : i32 {
      %parallel_loop3A_432 = arith.constant 4 : i32
      %parallel_loop3A_433 = arith.muli %parallel_loop3A_431, %parallel_loop3A_432 : i32
      %parallel_loop3A_434 = vector.broadcast %parallel_loop3A_433 : i32 to vector<16xi32>
      %parallel_loop3A_435 = arith.addi %parallel_loop3A_434, %shift_right_arithmetic3A_29 : vector<16xi32>
      %parallel_loop3A_436 = arith.addi %parallel_loop3A_435, %select_n3A_55 : vector<16xi32>
      %parallel_loop3A_437 = arith.constant 0 : i32
      %parallel_loop3A_438 = vector.broadcast %parallel_loop3A_437 : i32 to vector<16xi32>
      %parallel_loop3A_439 = arith.cmpi sge, %parallel_loop3A_436, %parallel_loop3A_438 : vector<16xi32>
      %parallel_loop3A_440 = arith.andi %and3A_286, %parallel_loop3A_439 : vector<16xi1>
      %parallel_loop3A_441 = arith.constant 320 : i32
      %parallel_loop3A_442 = vector.broadcast %parallel_loop3A_441 : i32 to vector<16xi32>
      %parallel_loop3A_443 = arith.cmpi slt, %parallel_loop3A_436, %parallel_loop3A_442 : vector<16xi32>
      %parallel_loop3A_444 = arith.andi %parallel_loop3A_440, %parallel_loop3A_443 : vector<16xi1>
      %parallel_loop3A_445 = arith.constant 0 : i32
      %parallel_loop3A_446 = arith.constant 319 : i32
      %parallel_loop3A_447 = vector.broadcast %parallel_loop3A_445 : i32 to vector<16xi32>
      %parallel_loop3A_448 = arith.maxsi %parallel_loop3A_447, %parallel_loop3A_436 : vector<16xi32>
      %parallel_loop3A_449 = vector.broadcast %parallel_loop3A_446 : i32 to vector<16xi32>
      %parallel_loop3A_450 = arith.minsi %parallel_loop3A_449, %parallel_loop3A_448 : vector<16xi32>
      %parallel_loop3A_451 = tpu.vector_load_idx %arg4[%sub3A_294, %parallel_loop3A_450] : memref<24x320xf32, #tpu.memory_space<vmem>>[vector<16xi32>, vector<16xi32>], vector<16xf32>,
      %parallel_loop3A_452 = arith.constant 0.000000e+00 : f32
      %parallel_loop3A_453 = vector.broadcast %parallel_loop3A_452 : f32 to vector<16xf32>
      %parallel_loop3A_454 = arith.select %parallel_loop3A_444, %parallel_loop3A_451, %parallel_loop3A_453 : vector<16xi1>, vector<16xf32>
      %parallel_loop3A_455 = arith.constant 16 : i32
      %parallel_loop3A_456 = arith.muli %parallel_loop3A_431, %parallel_loop3A_455 : i32
      %parallel_loop3A_457 = arith.constant 8960 : i32
      %parallel_loop3A_458 = arith.addi %parallel_loop3A_457, %parallel_loop3A_456 : i32
      %parallel_loop3A_459 = arith.index_cast %parallel_loop3A_458 : i32 to index
      %parallel_loop3A_460 = tpu.vector_load %arg5[%parallel_loop3A_459] {strides = array<i32>} : memref<12800xf32, #tpu.memory_space<vmem>>, vector<16xf32>,
      tpu.vector_store %arg5[%parallel_loop3A_459], %parallel_loop3A_454 {strides = array<i32>} : memref<12800xf32, #tpu.memory_space<vmem>>, vector<16xf32>,
    } {sc.loop_unroll_factor = 4 : i64, sc.parallel_access}
    %mul3A_298 = arith.constant 12800 : i32
    %mul3A_299 = arith.muli %add3A, %mul3A_298 : i32
    %add3A_300 = arith.constant 8960 : i32
    %add3A_301 = arith.addi %mul3A_299, %add3A_300 : i32
    %dma_start3A_302 = arith.constant 8960 : i32
    %dma_start3A_303 = tpu.memref_slice %arg5[%dma_start3A_302] : memref<12800xf32, #tpu.memory_space<vmem>> -> memref<1280xf32, #tpu.memory_space<vmem>>
    %dma_start3A_304 = tpu.memref_slice %arg3[%add3A_301] : memref<409600xf32, #tpu.memory_space<hbm>> -> memref<1280xf32, #tpu.memory_space<hbm>>
    %dma_start3A_305 = tpu.memref_slice %arg3[%add3A_301] : memref<409600xf32, #tpu.memory_space<hbm>> -> memref<1280xf32, #tpu.memory_space<hbm>>
    %dma_start3A_306 = arith.constant 8960 : i32
    %dma_start3A_307 = tpu.memref_slice %arg5[%dma_start3A_306] : memref<12800xf32, #tpu.memory_space<vmem>> -> memref<1280xf32, #tpu.memory_space<vmem>>
    tpu.enqueue_dma source(%dma_start3A_307 : memref<1280xf32, #tpu.memory_space<vmem>>) target(%dma_start3A_305 : memref<1280xf32, #tpu.memory_space<hbm>>) target_semaphore(%arg6 : memref<!tpu.dma_semaphore, #tpu.memory_space<semaphore_mem>>)
    %add3A_308 = arith.constant 8 : i32
    %add3A_309 = arith.addi %mul3A_2, %add3A_308 : i32
    %add3A_310 = vector.broadcast %add3A_309 : i32 to vector<16xi32>
    %add3A_311 = arith.addi %add3A_310, %select_n3A_41 : vector<16xi32>
    %ge3A_312 = arith.constant 0 : i32
    %ge3A_313 = vector.broadcast %ge3A_312 : i32 to vector<16xi32>
    %ge3A_314 = arith.cmpi sge, %add3A_311, %ge3A_313 : vector<16xi32>
    %lt3A_315 = arith.constant 320 : i32
    %lt3A_316 = vector.broadcast %lt3A_315 : i32 to vector<16xi32>
    %lt3A_317 = arith.cmpi slt, %add3A_311, %lt3A_316 : vector<16xi32>
    %and3A_318 = arith.andi %ge3A_314, %lt3A_317 : vector<16xi1>
    %jit3A_319 = arith.constant 0 : i32
    %jit3A_320 = arith.constant 319 : i32
    %max3A_321 = vector.broadcast %jit3A_319 : i32 to vector<16xi32>
    %max3A_322 = arith.maxsi %max3A_321, %add3A_311 : vector<16xi32>
    %min3A_323 = vector.broadcast %jit3A_320 : i32 to vector<16xi32>
    %min3A_324 = arith.minsi %min3A_323, %max3A_322 : vector<16xi32>
    %sub3A_325 = vector.broadcast %multiple_of3A : i32 to vector<16xi32>
    %sub3A_326 = arith.subi %min3A_324, %sub3A_325 : vector<16xi32>
    %parallel_loop3A_327 = arith.constant 0 : i32
    %parallel_loop3A_328 = arith.constant 80 : i32
    %parallel_loop3A_329 = arith.constant 1 : i32
    scf.for %parallel_loop3A_431 = %parallel_loop3A_327 to %parallel_loop3A_328 step %parallel_loop3A_329  : i32 {
      %parallel_loop3A_432 = arith.constant 4 : i32
      %parallel_loop3A_433 = arith.muli %parallel_loop3A_431, %parallel_loop3A_432 : i32
      %parallel_loop3A_434 = vector.broadcast %parallel_loop3A_433 : i32 to vector<16xi32>
      %parallel_loop3A_435 = arith.addi %parallel_loop3A_434, %shift_right_arithmetic3A_29 : vector<16xi32>
      %parallel_loop3A_436 = arith.addi %parallel_loop3A_435, %select_n3A_55 : vector<16xi32>
      %parallel_loop3A_437 = arith.constant 0 : i32
      %parallel_loop3A_438 = vector.broadcast %parallel_loop3A_437 : i32 to vector<16xi32>
      %parallel_loop3A_439 = arith.cmpi sge, %parallel_loop3A_436, %parallel_loop3A_438 : vector<16xi32>
      %parallel_loop3A_440 = arith.andi %and3A_318, %parallel_loop3A_439 : vector<16xi1>
      %parallel_loop3A_441 = arith.constant 320 : i32
      %parallel_loop3A_442 = vector.broadcast %parallel_loop3A_441 : i32 to vector<16xi32>
      %parallel_loop3A_443 = arith.cmpi slt, %parallel_loop3A_436, %parallel_loop3A_442 : vector<16xi32>
      %parallel_loop3A_444 = arith.andi %parallel_loop3A_440, %parallel_loop3A_443 : vector<16xi1>
      %parallel_loop3A_445 = arith.constant 0 : i32
      %parallel_loop3A_446 = arith.constant 319 : i32
      %parallel_loop3A_447 = vector.broadcast %parallel_loop3A_445 : i32 to vector<16xi32>
      %parallel_loop3A_448 = arith.maxsi %parallel_loop3A_447, %parallel_loop3A_436 : vector<16xi32>
      %parallel_loop3A_449 = vector.broadcast %parallel_loop3A_446 : i32 to vector<16xi32>
      %parallel_loop3A_450 = arith.minsi %parallel_loop3A_449, %parallel_loop3A_448 : vector<16xi32>
      %parallel_loop3A_451 = tpu.vector_load_idx %arg4[%sub3A_326, %parallel_loop3A_450] : memref<24x320xf32, #tpu.memory_space<vmem>>[vector<16xi32>, vector<16xi32>], vector<16xf32>,
      %parallel_loop3A_452 = arith.constant 0.000000e+00 : f32
      %parallel_loop3A_453 = vector.broadcast %parallel_loop3A_452 : f32 to vector<16xf32>
      %parallel_loop3A_454 = arith.select %parallel_loop3A_444, %parallel_loop3A_451, %parallel_loop3A_453 : vector<16xi1>, vector<16xf32>
      %parallel_loop3A_455 = arith.constant 16 : i32
      %parallel_loop3A_456 = arith.muli %parallel_loop3A_431, %parallel_loop3A_455 : i32
      %parallel_loop3A_457 = arith.constant 10240 : i32
      %parallel_loop3A_458 = arith.addi %parallel_loop3A_457, %parallel_loop3A_456 : i32
      %parallel_loop3A_459 = arith.index_cast %parallel_loop3A_458 : i32 to index
      %parallel_loop3A_460 = tpu.vector_load %arg5[%parallel_loop3A_459] {strides = array<i32>} : memref<12800xf32, #tpu.memory_space<vmem>>, vector<16xf32>,
      tpu.vector_store %arg5[%parallel_loop3A_459], %parallel_loop3A_454 {strides = array<i32>} : memref<12800xf32, #tpu.memory_space<vmem>>, vector<16xf32>,
    } {sc.loop_unroll_factor = 4 : i64, sc.parallel_access}
    %mul3A_330 = arith.constant 12800 : i32
    %mul3A_331 = arith.muli %add3A, %mul3A_330 : i32
    %add3A_332 = arith.constant 10240 : i32
    %add3A_333 = arith.addi %mul3A_331, %add3A_332 : i32
    %dma_start3A_334 = arith.constant 10240 : i32
    %dma_start3A_335 = tpu.memref_slice %arg5[%dma_start3A_334] : memref<12800xf32, #tpu.memory_space<vmem>> -> memref<1280xf32, #tpu.memory_space<vmem>>
    %dma_start3A_336 = tpu.memref_slice %arg3[%add3A_333] : memref<409600xf32, #tpu.memory_space<hbm>> -> memref<1280xf32, #tpu.memory_space<hbm>>
    %dma_start3A_337 = tpu.memref_slice %arg3[%add3A_333] : memref<409600xf32, #tpu.memory_space<hbm>> -> memref<1280xf32, #tpu.memory_space<hbm>>
    %dma_start3A_338 = arith.constant 10240 : i32
    %dma_start3A_339 = tpu.memref_slice %arg5[%dma_start3A_338] : memref<12800xf32, #tpu.memory_space<vmem>> -> memref<1280xf32, #tpu.memory_space<vmem>>
    tpu.enqueue_dma source(%dma_start3A_339 : memref<1280xf32, #tpu.memory_space<vmem>>) target(%dma_start3A_337 : memref<1280xf32, #tpu.memory_space<hbm>>) target_semaphore(%arg6 : memref<!tpu.dma_semaphore, #tpu.memory_space<semaphore_mem>>)
    %add3A_340 = arith.constant 9 : i32
    %add3A_341 = arith.addi %mul3A_2, %add3A_340 : i32
    %add3A_342 = vector.broadcast %add3A_341 : i32 to vector<16xi32>
    %add3A_343 = arith.addi %add3A_342, %select_n3A_41 : vector<16xi32>
    %ge3A_344 = arith.constant 0 : i32
    %ge3A_345 = vector.broadcast %ge3A_344 : i32 to vector<16xi32>
    %ge3A_346 = arith.cmpi sge, %add3A_343, %ge3A_345 : vector<16xi32>
    %lt3A_347 = arith.constant 320 : i32
    %lt3A_348 = vector.broadcast %lt3A_347 : i32 to vector<16xi32>
    %lt3A_349 = arith.cmpi slt, %add3A_343, %lt3A_348 : vector<16xi32>
    %and3A_350 = arith.andi %ge3A_346, %lt3A_349 : vector<16xi1>
    %jit3A_351 = arith.constant 0 : i32
    %jit3A_352 = arith.constant 319 : i32
    %max3A_353 = vector.broadcast %jit3A_351 : i32 to vector<16xi32>
    %max3A_354 = arith.maxsi %max3A_353, %add3A_343 : vector<16xi32>
    %min3A_355 = vector.broadcast %jit3A_352 : i32 to vector<16xi32>
    %min3A_356 = arith.minsi %min3A_355, %max3A_354 : vector<16xi32>
    %sub3A_357 = vector.broadcast %multiple_of3A : i32 to vector<16xi32>
    %sub3A_358 = arith.subi %min3A_356, %sub3A_357 : vector<16xi32>
    %parallel_loop3A_359 = arith.constant 0 : i32
    %parallel_loop3A_360 = arith.constant 80 : i32
    %parallel_loop3A_361 = arith.constant 1 : i32
    scf.for %parallel_loop3A_431 = %parallel_loop3A_359 to %parallel_loop3A_360 step %parallel_loop3A_361  : i32 {
      %parallel_loop3A_432 = arith.constant 4 : i32
      %parallel_loop3A_433 = arith.muli %parallel_loop3A_431, %parallel_loop3A_432 : i32
      %parallel_loop3A_434 = vector.broadcast %parallel_loop3A_433 : i32 to vector<16xi32>
      %parallel_loop3A_435 = arith.addi %parallel_loop3A_434, %shift_right_arithmetic3A_29 : vector<16xi32>
      %parallel_loop3A_436 = arith.addi %parallel_loop3A_435, %select_n3A_55 : vector<16xi32>
      %parallel_loop3A_437 = arith.constant 0 : i32
      %parallel_loop3A_438 = vector.broadcast %parallel_loop3A_437 : i32 to vector<16xi32>
      %parallel_loop3A_439 = arith.cmpi sge, %parallel_loop3A_436, %parallel_loop3A_438 : vector<16xi32>
      %parallel_loop3A_440 = arith.andi %and3A_350, %parallel_loop3A_439 : vector<16xi1>
      %parallel_loop3A_441 = arith.constant 320 : i32
      %parallel_loop3A_442 = vector.broadcast %parallel_loop3A_441 : i32 to vector<16xi32>
      %parallel_loop3A_443 = arith.cmpi slt, %parallel_loop3A_436, %parallel_loop3A_442 : vector<16xi32>
      %parallel_loop3A_444 = arith.andi %parallel_loop3A_440, %parallel_loop3A_443 : vector<16xi1>
      %parallel_loop3A_445 = arith.constant 0 : i32
      %parallel_loop3A_446 = arith.constant 319 : i32
      %parallel_loop3A_447 = vector.broadcast %parallel_loop3A_445 : i32 to vector<16xi32>
      %parallel_loop3A_448 = arith.maxsi %parallel_loop3A_447, %parallel_loop3A_436 : vector<16xi32>
      %parallel_loop3A_449 = vector.broadcast %parallel_loop3A_446 : i32 to vector<16xi32>
      %parallel_loop3A_450 = arith.minsi %parallel_loop3A_449, %parallel_loop3A_448 : vector<16xi32>
      %parallel_loop3A_451 = tpu.vector_load_idx %arg4[%sub3A_358, %parallel_loop3A_450] : memref<24x320xf32, #tpu.memory_space<vmem>>[vector<16xi32>, vector<16xi32>], vector<16xf32>,
      %parallel_loop3A_452 = arith.constant 0.000000e+00 : f32
      %parallel_loop3A_453 = vector.broadcast %parallel_loop3A_452 : f32 to vector<16xf32>
      %parallel_loop3A_454 = arith.select %parallel_loop3A_444, %parallel_loop3A_451, %parallel_loop3A_453 : vector<16xi1>, vector<16xf32>
      %parallel_loop3A_455 = arith.constant 16 : i32
      %parallel_loop3A_456 = arith.muli %parallel_loop3A_431, %parallel_loop3A_455 : i32
      %parallel_loop3A_457 = arith.constant 11520 : i32
      %parallel_loop3A_458 = arith.addi %parallel_loop3A_457, %parallel_loop3A_456 : i32
      %parallel_loop3A_459 = arith.index_cast %parallel_loop3A_458 : i32 to index
      %parallel_loop3A_460 = tpu.vector_load %arg5[%parallel_loop3A_459] {strides = array<i32>} : memref<12800xf32, #tpu.memory_space<vmem>>, vector<16xf32>,
      tpu.vector_store %arg5[%parallel_loop3A_459], %parallel_loop3A_454 {strides = array<i32>} : memref<12800xf32, #tpu.memory_space<vmem>>, vector<16xf32>,
    } {sc.loop_unroll_factor = 4 : i64, sc.parallel_access}
    %mul3A_362 = arith.constant 12800 : i32
    %mul3A_363 = arith.muli %add3A, %mul3A_362 : i32
    %add3A_364 = arith.constant 11520 : i32
    %add3A_365 = arith.addi %mul3A_363, %add3A_364 : i32
    %dma_start3A_366 = arith.constant 11520 : i32
    %dma_start3A_367 = tpu.memref_slice %arg5[%dma_start3A_366] : memref<12800xf32, #tpu.memory_space<vmem>> -> memref<1280xf32, #tpu.memory_space<vmem>>
    %dma_start3A_368 = tpu.memref_slice %arg3[%add3A_365] : memref<409600xf32, #tpu.memory_space<hbm>> -> memref<1280xf32, #tpu.memory_space<hbm>>
    %dma_start3A_369 = tpu.memref_slice %arg3[%add3A_365] : memref<409600xf32, #tpu.memory_space<hbm>> -> memref<1280xf32, #tpu.memory_space<hbm>>
    %dma_start3A_370 = arith.constant 11520 : i32
    %dma_start3A_371 = tpu.memref_slice %arg5[%dma_start3A_370] : memref<12800xf32, #tpu.memory_space<vmem>> -> memref<1280xf32, #tpu.memory_space<vmem>>
    tpu.enqueue_dma source(%dma_start3A_371 : memref<1280xf32, #tpu.memory_space<vmem>>) target(%dma_start3A_369 : memref<1280xf32, #tpu.memory_space<hbm>>) target_semaphore(%arg6 : memref<!tpu.dma_semaphore, #tpu.memory_space<semaphore_mem>>)
    %dma_wait3A = arith.constant 0 : i32
    %dma_wait3A_372 = tpu.memref_slice %arg5[%dma_wait3A] : memref<12800xf32, #tpu.memory_space<vmem>> -> memref<1280xf32, #tpu.memory_space<vmem>>
    %dma_wait3A_373 = tpu.memref_slice %arg3[%add3A_78] : memref<409600xf32, #tpu.memory_space<hbm>> -> memref<1280xf32, #tpu.memory_space<hbm>>
    %dma_wait3A_374 = tpu.memref_slice %arg3[%add3A_78] : memref<409600xf32, #tpu.memory_space<hbm>> -> memref<1280xf32, #tpu.memory_space<hbm>>
    %dma_wait3A_375 = arith.constant 0 : i32
    %dma_wait3A_376 = tpu.memref_slice %arg5[%dma_wait3A_375] : memref<12800xf32, #tpu.memory_space<vmem>> -> memref<1280xf32, #tpu.memory_space<vmem>>
    tpu.wait_dma2 semaphore(%arg6 : memref<!tpu.dma_semaphore, #tpu.memory_space<semaphore_mem>>) src(%dma_wait3A_376 : memref<1280xf32, #tpu.memory_space<vmem>>) dst(%dma_wait3A_374 : memref<1280xf32, #tpu.memory_space<hbm>>)
    %dma_wait3A_377 = arith.constant 1280 : i32
    %dma_wait3A_378 = tpu.memref_slice %arg5[%dma_wait3A_377] : memref<12800xf32, #tpu.memory_space<vmem>> -> memref<1280xf32, #tpu.memory_space<vmem>>
    %dma_wait3A_379 = tpu.memref_slice %arg3[%add3A_109] : memref<409600xf32, #tpu.memory_space<hbm>> -> memref<1280xf32, #tpu.memory_space<hbm>>
    %dma_wait3A_380 = tpu.memref_slice %arg3[%add3A_109] : memref<409600xf32, #tpu.memory_space<hbm>> -> memref<1280xf32, #tpu.memory_space<hbm>>
    %dma_wait3A_381 = arith.constant 1280 : i32
    %dma_wait3A_382 = tpu.memref_slice %arg5[%dma_wait3A_381] : memref<12800xf32, #tpu.memory_space<vmem>> -> memref<1280xf32, #tpu.memory_space<vmem>>
    tpu.wait_dma2 semaphore(%arg6 : memref<!tpu.dma_semaphore, #tpu.memory_space<semaphore_mem>>) src(%dma_wait3A_382 : memref<1280xf32, #tpu.memory_space<vmem>>) dst(%dma_wait3A_380 : memref<1280xf32, #tpu.memory_space<hbm>>)
    %dma_wait3A_383 = arith.constant 2560 : i32
    %dma_wait3A_384 = tpu.memref_slice %arg5[%dma_wait3A_383] : memref<12800xf32, #tpu.memory_space<vmem>> -> memref<1280xf32, #tpu.memory_space<vmem>>
    %dma_wait3A_385 = tpu.memref_slice %arg3[%add3A_141] : memref<409600xf32, #tpu.memory_space<hbm>> -> memref<1280xf32, #tpu.memory_space<hbm>>
    %dma_wait3A_386 = tpu.memref_slice %arg3[%add3A_141] : memref<409600xf32, #tpu.memory_space<hbm>> -> memref<1280xf32, #tpu.memory_space<hbm>>
    %dma_wait3A_387 = arith.constant 2560 : i32
    %dma_wait3A_388 = tpu.memref_slice %arg5[%dma_wait3A_387] : memref<12800xf32, #tpu.memory_space<vmem>> -> memref<1280xf32, #tpu.memory_space<vmem>>
    tpu.wait_dma2 semaphore(%arg6 : memref<!tpu.dma_semaphore, #tpu.memory_space<semaphore_mem>>) src(%dma_wait3A_388 : memref<1280xf32, #tpu.memory_space<vmem>>) dst(%dma_wait3A_386 : memref<1280xf32, #tpu.memory_space<hbm>>)
    %dma_wait3A_389 = arith.constant 3840 : i32
    %dma_wait3A_390 = tpu.memref_slice %arg5[%dma_wait3A_389] : memref<12800xf32, #tpu.memory_space<vmem>> -> memref<1280xf32, #tpu.memory_space<vmem>>
    %dma_wait3A_391 = tpu.memref_slice %arg3[%add3A_173] : memref<409600xf32, #tpu.memory_space<hbm>> -> memref<1280xf32, #tpu.memory_space<hbm>>
    %dma_wait3A_392 = tpu.memref_slice %arg3[%add3A_173] : memref<409600xf32, #tpu.memory_space<hbm>> -> memref<1280xf32, #tpu.memory_space<hbm>>
    %dma_wait3A_393 = arith.constant 3840 : i32
    %dma_wait3A_394 = tpu.memref_slice %arg5[%dma_wait3A_393] : memref<12800xf32, #tpu.memory_space<vmem>> -> memref<1280xf32, #tpu.memory_space<vmem>>
    tpu.wait_dma2 semaphore(%arg6 : memref<!tpu.dma_semaphore, #tpu.memory_space<semaphore_mem>>) src(%dma_wait3A_394 : memref<1280xf32, #tpu.memory_space<vmem>>) dst(%dma_wait3A_392 : memref<1280xf32, #tpu.memory_space<hbm>>)
    %dma_wait3A_395 = arith.constant 5120 : i32
    %dma_wait3A_396 = tpu.memref_slice %arg5[%dma_wait3A_395] : memref<12800xf32, #tpu.memory_space<vmem>> -> memref<1280xf32, #tpu.memory_space<vmem>>
    %dma_wait3A_397 = tpu.memref_slice %arg3[%add3A_205] : memref<409600xf32, #tpu.memory_space<hbm>> -> memref<1280xf32, #tpu.memory_space<hbm>>
    %dma_wait3A_398 = tpu.memref_slice %arg3[%add3A_205] : memref<409600xf32, #tpu.memory_space<hbm>> -> memref<1280xf32, #tpu.memory_space<hbm>>
    %dma_wait3A_399 = arith.constant 5120 : i32
    %dma_wait3A_400 = tpu.memref_slice %arg5[%dma_wait3A_399] : memref<12800xf32, #tpu.memory_space<vmem>> -> memref<1280xf32, #tpu.memory_space<vmem>>
    tpu.wait_dma2 semaphore(%arg6 : memref<!tpu.dma_semaphore, #tpu.memory_space<semaphore_mem>>) src(%dma_wait3A_400 : memref<1280xf32, #tpu.memory_space<vmem>>) dst(%dma_wait3A_398 : memref<1280xf32, #tpu.memory_space<hbm>>)
    %dma_wait3A_401 = arith.constant 6400 : i32
    %dma_wait3A_402 = tpu.memref_slice %arg5[%dma_wait3A_401] : memref<12800xf32, #tpu.memory_space<vmem>> -> memref<1280xf32, #tpu.memory_space<vmem>>
    %dma_wait3A_403 = tpu.memref_slice %arg3[%add3A_237] : memref<409600xf32, #tpu.memory_space<hbm>> -> memref<1280xf32, #tpu.memory_space<hbm>>
    %dma_wait3A_404 = tpu.memref_slice %arg3[%add3A_237] : memref<409600xf32, #tpu.memory_space<hbm>> -> memref<1280xf32, #tpu.memory_space<hbm>>
    %dma_wait3A_405 = arith.constant 6400 : i32
    %dma_wait3A_406 = tpu.memref_slice %arg5[%dma_wait3A_405] : memref<12800xf32, #tpu.memory_space<vmem>> -> memref<1280xf32, #tpu.memory_space<vmem>>
    tpu.wait_dma2 semaphore(%arg6 : memref<!tpu.dma_semaphore, #tpu.memory_space<semaphore_mem>>) src(%dma_wait3A_406 : memref<1280xf32, #tpu.memory_space<vmem>>) dst(%dma_wait3A_404 : memref<1280xf32, #tpu.memory_space<hbm>>)
    %dma_wait3A_407 = arith.constant 7680 : i32
    %dma_wait3A_408 = tpu.memref_slice %arg5[%dma_wait3A_407] : memref<12800xf32, #tpu.memory_space<vmem>> -> memref<1280xf32, #tpu.memory_space<vmem>>
    %dma_wait3A_409 = tpu.memref_slice %arg3[%add3A_269] : memref<409600xf32, #tpu.memory_space<hbm>> -> memref<1280xf32, #tpu.memory_space<hbm>>
    %dma_wait3A_410 = tpu.memref_slice %arg3[%add3A_269] : memref<409600xf32, #tpu.memory_space<hbm>> -> memref<1280xf32, #tpu.memory_space<hbm>>
    %dma_wait3A_411 = arith.constant 7680 : i32
    %dma_wait3A_412 = tpu.memref_slice %arg5[%dma_wait3A_411] : memref<12800xf32, #tpu.memory_space<vmem>> -> memref<1280xf32, #tpu.memory_space<vmem>>
    tpu.wait_dma2 semaphore(%arg6 : memref<!tpu.dma_semaphore, #tpu.memory_space<semaphore_mem>>) src(%dma_wait3A_412 : memref<1280xf32, #tpu.memory_space<vmem>>) dst(%dma_wait3A_410 : memref<1280xf32, #tpu.memory_space<hbm>>)
    %dma_wait3A_413 = arith.constant 8960 : i32
    %dma_wait3A_414 = tpu.memref_slice %arg5[%dma_wait3A_413] : memref<12800xf32, #tpu.memory_space<vmem>> -> memref<1280xf32, #tpu.memory_space<vmem>>
    %dma_wait3A_415 = tpu.memref_slice %arg3[%add3A_301] : memref<409600xf32, #tpu.memory_space<hbm>> -> memref<1280xf32, #tpu.memory_space<hbm>>
    %dma_wait3A_416 = tpu.memref_slice %arg3[%add3A_301] : memref<409600xf32, #tpu.memory_space<hbm>> -> memref<1280xf32, #tpu.memory_space<hbm>>
    %dma_wait3A_417 = arith.constant 8960 : i32
    %dma_wait3A_418 = tpu.memref_slice %arg5[%dma_wait3A_417] : memref<12800xf32, #tpu.memory_space<vmem>> -> memref<1280xf32, #tpu.memory_space<vmem>>
    tpu.wait_dma2 semaphore(%arg6 : memref<!tpu.dma_semaphore, #tpu.memory_space<semaphore_mem>>) src(%dma_wait3A_418 : memref<1280xf32, #tpu.memory_space<vmem>>) dst(%dma_wait3A_416 : memref<1280xf32, #tpu.memory_space<hbm>>)
    %dma_wait3A_419 = arith.constant 10240 : i32
    %dma_wait3A_420 = tpu.memref_slice %arg5[%dma_wait3A_419] : memref<12800xf32, #tpu.memory_space<vmem>> -> memref<1280xf32, #tpu.memory_space<vmem>>
    %dma_wait3A_421 = tpu.memref_slice %arg3[%add3A_333] : memref<409600xf32, #tpu.memory_space<hbm>> -> memref<1280xf32, #tpu.memory_space<hbm>>
    %dma_wait3A_422 = tpu.memref_slice %arg3[%add3A_333] : memref<409600xf32, #tpu.memory_space<hbm>> -> memref<1280xf32, #tpu.memory_space<hbm>>
    %dma_wait3A_423 = arith.constant 10240 : i32
    %dma_wait3A_424 = tpu.memref_slice %arg5[%dma_wait3A_423] : memref<12800xf32, #tpu.memory_space<vmem>> -> memref<1280xf32, #tpu.memory_space<vmem>>
    tpu.wait_dma2 semaphore(%arg6 : memref<!tpu.dma_semaphore, #tpu.memory_space<semaphore_mem>>) src(%dma_wait3A_424 : memref<1280xf32, #tpu.memory_space<vmem>>) dst(%dma_wait3A_422 : memref<1280xf32, #tpu.memory_space<hbm>>)
    %dma_wait3A_425 = arith.constant 11520 : i32
    %dma_wait3A_426 = tpu.memref_slice %arg5[%dma_wait3A_425] : memref<12800xf32, #tpu.memory_space<vmem>> -> memref<1280xf32, #tpu.memory_space<vmem>>
    %dma_wait3A_427 = tpu.memref_slice %arg3[%add3A_365] : memref<409600xf32, #tpu.memory_space<hbm>> -> memref<1280xf32, #tpu.memory_space<hbm>>
    %dma_wait3A_428 = tpu.memref_slice %arg3[%add3A_365] : memref<409600xf32, #tpu.memory_space<hbm>> -> memref<1280xf32, #tpu.memory_space<hbm>>
    %dma_wait3A_429 = arith.constant 11520 : i32
    %dma_wait3A_430 = tpu.memref_slice %arg5[%dma_wait3A_429] : memref<12800xf32, #tpu.memory_space<vmem>> -> memref<1280xf32, #tpu.memory_space<vmem>>
    tpu.wait_dma2 semaphore(%arg6 : memref<!tpu.dma_semaphore, #tpu.memory_space<semaphore_mem>>) src(%dma_wait3A_430 : memref<1280xf32, #tpu.memory_space<vmem>>) dst(%dma_wait3A_428 : memref<1280xf32, #tpu.memory_space<hbm>>)
    return
  }
}

module attributes {stable_mosaic.version = 14 : i64} {
  func.func @_rc_tc_body(%arg0: i32, %arg1: memref<400x128xi32, #tpu.memory_space<vmem>>, %arg2: memref<400x128xi32, #tpu.memory_space<vmem>>) attributes {dimension_semantics = [#tpu.dimension_semantics<arbitrary>], iteration_bounds = array<i64: 8>, scalar_prefetch = 0 : i64, scratch_operands = 0 : i64, tpu.core_type = #tpu.core_type<tc>, window_params = [{transform_indices = @transform_0, window_bounds = array<i64: 400, 128>}, {transform_indices = @transform_1, window_bounds = array<i64: 400, 128>}]} {
    %mul3A = arith.constant 400 : i32
    %mul3A_0 = arith.muli %arg0, %mul3A : i32
    %iota3A = tpu.iota {dimensions = array<i32: 0>} : vector<400x128xi32>
    %add3A = vector.broadcast %mul3A_0 : i32 to vector<400x128xi32>
    %add3A_1 = arith.addi %add3A, %iota3A : vector<400x128xi32>
    %mul3A_2 = arith.constant 128 : i32
    %mul3A_3 = vector.broadcast %mul3A_2 : i32 to vector<400x128xi32>
    %mul3A_4 = arith.muli %add3A_1, %mul3A_3 : vector<400x128xi32>
    %iota3A_5 = tpu.iota {dimensions = array<i32: 1>} : vector<400x128xi32>
    %add3A_6 = arith.addi %mul3A_4, %iota3A_5 : vector<400x128xi32>
    %and3A = arith.constant 3 : i32
    %and3A_7 = vector.broadcast %and3A : i32 to vector<400x128xi32>
    %and3A_8 = arith.andi %add3A_6, %and3A_7 : vector<400x128xi32>
    %shift_right_arithmetic3A = arith.constant 2 : i32
    %shift_right_arithmetic3A_9 = vector.broadcast %shift_right_arithmetic3A : i32 to vector<400x128xi32>
    %shift_right_arithmetic3A_10 = arith.shrsi %add3A_6, %shift_right_arithmetic3A_9 : vector<400x128xi32>
    %shift_right_arithmetic3A_11 = arith.constant 6 : i32
    %shift_right_arithmetic3A_12 = vector.broadcast %shift_right_arithmetic3A_11 : i32 to vector<400x128xi32>
    %shift_right_arithmetic3A_13 = arith.shrsi %shift_right_arithmetic3A_10, %shift_right_arithmetic3A_12 : vector<400x128xi32>
    %mul3A_14 = arith.constant 52429 : i32
    %mul3A_15 = vector.broadcast %mul3A_14 : i32 to vector<400x128xi32>
    %mul3A_16 = arith.muli %shift_right_arithmetic3A_13, %mul3A_15 : vector<400x128xi32>
    %shift_right_arithmetic3A_17 = arith.constant 18 : i32
    %shift_right_arithmetic3A_18 = vector.broadcast %shift_right_arithmetic3A_17 : i32 to vector<400x128xi32>
    %shift_right_arithmetic3A_19 = arith.shrsi %mul3A_16, %shift_right_arithmetic3A_18 : vector<400x128xi32>
    %mul3A_20 = arith.constant 320 : i32
    %mul3A_21 = vector.broadcast %mul3A_20 : i32 to vector<400x128xi32>
    %mul3A_22 = arith.muli %shift_right_arithmetic3A_19, %mul3A_21 : vector<400x128xi32>
    %sub3A = arith.subi %shift_right_arithmetic3A_10, %mul3A_22 : vector<400x128xi32>
    %eq3A = arith.constant 0 : i32
    %eq3A_23 = vector.broadcast %eq3A : i32 to vector<400x128xi32>
    %eq3A_24 = arith.cmpi eq, %and3A_8, %eq3A_23 : vector<400x128xi32>
    %eq3A_25 = arith.constant 1 : i32
    %eq3A_26 = vector.broadcast %eq3A_25 : i32 to vector<400x128xi32>
    %eq3A_27 = arith.cmpi eq, %and3A_8, %eq3A_26 : vector<400x128xi32>
    %jit3A = arith.constant -1 : i32
    %jit3A_28 = arith.constant 0 : i32
    %broadcast_in_dim3A = vector.broadcast %jit3A : i32 to vector<400x128xi32>
    %broadcast_in_dim3A_29 = vector.broadcast %jit3A_28 : i32 to vector<400x128xi32>
    %select_n3A = arith.select %eq3A_27, %broadcast_in_dim3A, %broadcast_in_dim3A_29 : vector<400x128xi1>, vector<400x128xi32>
    %jit3A_30 = arith.constant 1 : i32
    %broadcast_in_dim3A_31 = vector.broadcast %jit3A_30 : i32 to vector<400x128xi32>
    %select_n3A_32 = arith.select %eq3A_24, %broadcast_in_dim3A_31, %select_n3A : vector<400x128xi1>, vector<400x128xi32>
    %add3A_33 = arith.addi %shift_right_arithmetic3A_19, %select_n3A_32 : vector<400x128xi32>
    %eq3A_34 = arith.constant 2 : i32
    %eq3A_35 = vector.broadcast %eq3A_34 : i32 to vector<400x128xi32>
    %eq3A_36 = arith.cmpi eq, %and3A_8, %eq3A_35 : vector<400x128xi32>
    %eq3A_37 = arith.constant 3 : i32
    %eq3A_38 = vector.broadcast %eq3A_37 : i32 to vector<400x128xi32>
    %eq3A_39 = arith.cmpi eq, %and3A_8, %eq3A_38 : vector<400x128xi32>
    %jit3A_40 = arith.constant -1 : i32
    %jit3A_41 = arith.constant 0 : i32
    %broadcast_in_dim3A_42 = vector.broadcast %jit3A_40 : i32 to vector<400x128xi32>
    %broadcast_in_dim3A_43 = vector.broadcast %jit3A_41 : i32 to vector<400x128xi32>
    %select_n3A_44 = arith.select %eq3A_39, %broadcast_in_dim3A_42, %broadcast_in_dim3A_43 : vector<400x128xi1>, vector<400x128xi32>
    %jit3A_45 = arith.constant 1 : i32
    %broadcast_in_dim3A_46 = vector.broadcast %jit3A_45 : i32 to vector<400x128xi32>
    %select_n3A_47 = arith.select %eq3A_36, %broadcast_in_dim3A_46, %select_n3A_44 : vector<400x128xi1>, vector<400x128xi32>
    %add3A_48 = arith.addi %sub3A, %select_n3A_47 : vector<400x128xi32>
    %ge3A = arith.constant 0 : i32
    %ge3A_49 = vector.broadcast %ge3A : i32 to vector<400x128xi32>
    %ge3A_50 = arith.cmpi sge, %add3A_33, %ge3A_49 : vector<400x128xi32>
    %lt3A = arith.constant 320 : i32
    %lt3A_51 = vector.broadcast %lt3A : i32 to vector<400x128xi32>
    %lt3A_52 = arith.cmpi slt, %add3A_33, %lt3A_51 : vector<400x128xi32>
    %and3A_53 = arith.andi %ge3A_50, %lt3A_52 : vector<400x128xi1>
    %ge3A_54 = arith.constant 0 : i32
    %ge3A_55 = vector.broadcast %ge3A_54 : i32 to vector<400x128xi32>
    %ge3A_56 = arith.cmpi sge, %add3A_48, %ge3A_55 : vector<400x128xi32>
    %and3A_57 = arith.andi %and3A_53, %ge3A_56 : vector<400x128xi1>
    %lt3A_58 = arith.constant 320 : i32
    %lt3A_59 = vector.broadcast %lt3A_58 : i32 to vector<400x128xi32>
    %lt3A_60 = arith.cmpi slt, %add3A_48, %lt3A_59 : vector<400x128xi32>
    %and3A_61 = arith.andi %and3A_57, %lt3A_60 : vector<400x128xi1>
    %jit3A_62 = arith.constant 0 : i32
    %broadcast_in_dim3A_63 = vector.broadcast %jit3A_62 : i32 to vector<400x128xi32>
    %select_n3A_64 = arith.select %and3A_61, %shift_right_arithmetic3A_10, %broadcast_in_dim3A_63 : vector<400x128xi1>, vector<400x128xi32>
    %swap3A = arith.constant 0 : index
    %swap3A_65 = arith.constant 0 : index
    %swap3A_66 = vector.load %arg1[%swap3A, %swap3A_65] : memref<400x128xi32, #tpu.memory_space<vmem>>, vector<400x128xi32>
    tpu.vector_store %arg1[%swap3A, %swap3A_65], %select_n3A_64 {strides = array<i32>} : memref<400x128xi32, #tpu.memory_space<vmem>>, vector<400x128xi32>,
    %mul3A_67 = arith.constant 320 : i32
    %mul3A_68 = vector.broadcast %mul3A_67 : i32 to vector<400x128xi32>
    %mul3A_69 = arith.muli %add3A_33, %mul3A_68 : vector<400x128xi32>
    %add3A_70 = arith.addi %mul3A_69, %add3A_48 : vector<400x128xi32>
    %jit3A_71 = arith.constant 0 : i32
    %broadcast_in_dim3A_72 = vector.broadcast %jit3A_71 : i32 to vector<400x128xi32>
    %select_n3A_73 = arith.select %and3A_61, %add3A_70, %broadcast_in_dim3A_72 : vector<400x128xi1>, vector<400x128xi32>
    %swap3A_74 = arith.constant 0 : index
    %swap3A_75 = arith.constant 0 : index
    %swap3A_76 = vector.load %arg2[%swap3A_74, %swap3A_75] : memref<400x128xi32, #tpu.memory_space<vmem>>, vector<400x128xi32>
    tpu.vector_store %arg2[%swap3A_74, %swap3A_75], %select_n3A_73 {strides = array<i32>} : memref<400x128xi32, #tpu.memory_space<vmem>>, vector<400x128xi32>,
    return
  }
  func.func @transform_0(%arg0: i32) -> (i32, i32) {
    %c0_i32 = arith.constant 0 : i32
    %c0_i32_0 = arith.constant 0 : i32
    return %arg0, %c0_i32 : i32, i32
  }
  func.func @transform_1(%arg0: i32) -> (i32, i32) {
    %c0_i32 = arith.constant 0 : i32
    %c0_i32_0 = arith.constant 0 : i32
    return %arg0, %c0_i32 : i32, i32
  }
}

</mosaic_0001>

<sc_bundles>
// kernel: kernel.4.cloned.1.call-start
scs
__scs_entry_jumppad:
0x0: {  	(pc) =	sbr.rel $0x88, $3  }
0x1: {  	(tag) =	ssettag $0x0;
	lr =	simm.s32 $0x1  }
0x2: {  	[smem:$0x3FA0] =	sst lr;
	_ =	strace $0xD0000000  }
0x3: {  	_ = 	snop  }
0x4: {  	_ = 	snop  }
0x5: {  	_ = 	snop  }
0x6: {  	_ = 	snop  }
0x7: {  	_ = 	snop  }
__scs_overlays_trampoline_lowered:
0x8: {  	[smem:$0x3FAF] =	sst s0  }
0x9: {  	[smem:$0x3FB0] =	sst s1  }
0xa: {  	[smem:$0x3FB1] =	sst s2  }
0xb: {  	[smem:$0x3FB2] =	sst s3  }
0xc: {  	[smem:$0x3FB3] =	sst s4  }
0xd: {  	[smem:$0x3FB4] =	sst s5  }
0xe: {  	[smem:$0x3FB5] =	sst s6  }
0xf: {  	[smem:$0x3FB6] =	sst s7  }
0x10: {  	[smem:$0x3FB7] =	sst s8  }
0x11: {  	[smem:$0x3FB8] =	sst s9;
	s0 =	simm.s32 @!p0 $0x0  }
0x12: {  	s1 =	sld [smem:$0x3F9E];
	s0 =	simm.s32 @p0 $0x1  }
0x13: {  	[smem:$0x3FB9] =	sst s0;
	s0 =	simm.s32 @!p1 $0x0  }
0x14: {  	s2 =	sld [smem:$0x3F9D];
	s0 =	simm.s32 @p1 $0x1  }
0x15: {  	[smem:$0x3FBA] =	sst s0;
	s0 =	simm.s32 @!p2 $0x0  }
0x16: {  	s3 =	sld [smem:$0x3FDB];
	s0 =	simm.s32 @p2 $0x1  }
0x17: {  	s4 =	simm.s32 $0x1BF5;
	[smem:$0x3FBC] =	sst s0  }
0x18: {  	s0 =	sld [smem:$0x3F9F];
	_ =	swait.ge [sflag:s4], $0x0  }
0x19: {  	s7 =	sld [smem:$0x3FA0]  }
0x1a: {  	s8 =	sadd.s32 $0xFFFFE003, lr  }
0x1b: {  	s9 =	sadd.s32 $0xFFFFFEF7, lr;
	s5 =	simm.s32 $0xFFFFFFFF;
	p2 =	slt.u32 s8, $0xFFFFF086  }
0x1c: {  	p1 =	slt.u32 s9, $0xF7A;
	s5 =	simm.s32 @!p2 $0x0  }
0x1d: {  	s5 =	simm.s32 @p1 $0x1;
	p0 =	seq.s32 s7, s2  }
0x1e: {  	s7 =	smul.u32 @!p0 $0xF7A, s2;
	p2 =	seq.s32 @!p0 s5, $0x0  }
0x1f: {  	s9 =	smul.u32 $0xF7A, s1;
	s8 =	simm.s32 @!p0 $0x1BF5;
	p2 =	por !p2, p0  }
0x20: {  	[sflag:s8] =	ssyncset.s32 @!p0 $0xFFFFF086;
	s6 =	sadd.s32 @!p0 s3, s7;
	s7 =	simm.s32 @!p0 $0x108  }
0x21: {  	s3 =	sadd.s32 s3, s9;
	s6 =	sadd.s32 @!p0 $0x88, s6;
	s7 =	simm.s32 @p2 $0x1082  }
0x22: {  	[simem:s7], [sflag:s8] =	dma.local @!p0 [hbm:s6], $0xF7A  }
0x23: {  	s9 =	sor.u32 $0xD0000000, s2;
	s6 =	simm.s32 $0x108;
	_ =	swait.ge @!p0 [sflag:s8], $0x0  }
0x24: {  	s3 =	sadd.s32 $0x88, s3;
	s6 =	simm.s32 @!p1 $0x1082;
	[sflag:s4] =	ssyncset.s32 $0xFFFFF086  }
0x25: {  	[simem:s6], [sflag:s4] =	dma.local [hbm:s3], $0xF7A  }
0x26: {  	[smem:$0x3FA0] =	sst s1;
	(tag) =	ssettag s2;
	_ =	strace s9  }
0x27: {  	s1 =	sld [smem:$0x3FB0]  }
0x28: {  	s2 =	sld [smem:$0x3FB1]  }
0x29: {  	s4 =	sld [smem:$0x3FB3]  }
0x2a: {  	p0 =	seq.s32 s5, $0x0;
	s5 =	sld [smem:$0x3FB4]  }
0x2b: {  	s6 =	sld [smem:$0x3FB5]  }
0x2c: {  	s7 =	sld [smem:$0x3FB6]  }
0x2d: {  	s3 =	simm.s32 $0x108;
	s8 =	sld [smem:$0x3FB7]  }
0x2e: {  	s3 =	simm.s32 @!p0 $0x1082;
	s9 =	sld [smem:$0x3FB8]  }
0x2f: {  	lr =	sadd.s32 s0, s3;
	s0 =	sld [smem:$0x3FAF]  }
0x30: {  	s3 =	sld [smem:$0x3FB2]  }
0x31: {  	[smem:$0x3FBB] =	sst s10  }
0x32: {  	s10 =	sld [smem:$0x3FB9];
	_ =	sdelay $0x3  }
0x33: {  	p0 =	seq.s32 s10, $0x1;
	s10 =	sld [smem:$0x3FBB];
	_ =	sdelay $0x3  }
0x34: {  	[smem:$0x3FBB] =	sst s10  }
0x35: {  	s10 =	sld [smem:$0x3FBA];
	_ =	sdelay $0x3  }
0x36: {  	p1 =	seq.s32 s10, $0x1;
	s10 =	sld [smem:$0x3FBB];
	_ =	sdelay $0x3  }
0x37: {  	[smem:$0x3FBB] =	sst s10  }
0x38: {  	s10 =	sld [smem:$0x3FBC]  }
0x39: {  	_ = 	snop;
	(pc) =	sbr.ind lr, $3  }
0x3a: {  	_ = 	snop  }
0x3b: {  	_ = 	snop  }
0x3c: {  	p2 =	seq.s32 s10, $0x1;
	s10 =	sld [smem:$0x3FBB]  }
0x3d: {  	_ =	shalt  }
0x3e: {  	_ =	shalt  }
0x3f: {  	_ =	shalt  }
0x40: {  	_ =	shalt  }
0x41: {  	_ =	shalt  }
0x42: {  	_ =	shalt  }
0x43: {  	_ =	shalt  }
0x44: {  	_ =	shalt  }
0x45: {  	_ =	shalt  }
0x46: {  	_ =	shalt  }
0x47: {  	_ =	shalt  }
0x48: {  	_ =	shalt  }
0x49: {  	_ =	shalt  }
0x4a: {  	_ =	shalt  }
0x4b: {  	_ =	shalt  }
0x4c: {  	_ =	shalt  }
0x4d: {  	_ =	shalt  }
0x4e: {  	_ =	shalt  }
0x4f: {  	_ =	shalt  }
0x50: {  	_ =	shalt  }
0x51: {  	_ =	shalt  }
0x52: {  	_ =	shalt  }
0x53: {  	_ =	shalt  }
0x54: {  	_ =	shalt  }
0x55: {  	_ =	shalt  }
0x56: {  	_ =	shalt  }
0x57: {  	_ =	shalt  }
0x58: {  	_ =	shalt  }
0x59: {  	_ =	shalt  }
0x5a: {  	_ =	shalt  }
0x5b: {  	_ =	shalt  }
0x5c: {  	_ =	shalt  }
0x5d: {  	_ =	shalt  }
0x5e: {  	_ =	shalt  }
0x5f: {  	_ =	shalt  }
0x60: {  	_ =	shalt  }
0x61: {  	_ =	shalt  }
0x62: {  	_ =	shalt  }
0x63: {  	_ =	shalt  }
0x64: {  	_ =	shalt  }
0x65: {  	_ =	shalt  }
0x66: {  	_ =	shalt  }
0x67: {  	_ =	shalt  }
0x68: {  	_ =	shalt  }
0x69: {  	_ =	shalt  }
0x6a: {  	_ =	shalt  }
0x6b: {  	_ =	shalt  }
0x6c: {  	_ =	shalt  }
0x6d: {  	_ =	shalt  }
0x6e: {  	_ =	shalt  }
0x6f: {  	_ =	shalt  }
0x70: {  	_ =	shalt  }
0x71: {  	_ =	shalt  }
0x72: {  	_ =	shalt  }
0x73: {  	_ =	shalt  }
0x74: {  	_ =	shalt  }
0x75: {  	_ =	shalt  }
0x76: {  	_ =	shalt  }
0x77: {  	_ =	shalt  }
0x78: {  	_ =	shalt  }
0x79: {  	_ =	shalt  }
0x7a: {  	_ =	shalt  }
0x7b: {  	_ =	shalt  }
0x7c: {  	_ =	shalt  }
0x7d: {  	_ =	shalt  }
0x7e: {  	_ =	shalt  }
0x7f: {  	_ =	shalt  }
0x80: {  	_ =	shalt  }
0x81: {  	_ =	shalt  }
0x82: {  	_ =	shalt  }
0x83: {  	_ =	shalt  }
0x84: {  	_ =	shalt  }
0x85: {  	_ =	shalt  }
0x86: {  	_ =	shalt  }
0x87: {  	_ =	shalt  }
.Lfunc_end0:
.L_simem_size_0:
called_computation_lowered:
.L_overlay_start_0:
0x88: {  	s2 =	sld [smem:$0x3FD9]  }
0x89: {  	s3 =	sld [smem:$0x3FFE];
	_ =	sdelay $0x1  }
0x8a: {  	s1 =	srdreg.scid  }
0x8b: {  	s0 =	sand.u32 $0x1, s1  }
0x8c: {  	s15 =	sshll.u32 s0, $0xA;
	s2 =	sadd.s32 s3, s2  }
0x8d: {  	s2 =	sadd.s32 s2, s15  }
0x8e: {  	[smem:$0x3FC7] =	sst s2  }
0x8f: {  	_ = 	snop  }
0x90: {  	s2 =	sld [smem:$0x3FD0];
	_ =	sdelay $0x2  }
0x91: {  	s4 =	simm.s32 $0xA;
	s5 =	simm.s32 $0x10;
	s16 =	sld [smem:$0x3FC9]  }
0x92: {  	[smem:s5], [sflag:s4] =	dma.local [hbm:s2], $0x1  }
0x93: {  	_ =	swait.eq [sflag:s4], $0x1  }
0x94: {  	[sflag:s4] =	ssyncset.done $0x0  }
0x95: {  	[sflag:s4] =	ssyncadd.s32 $0xFFFFFFFF  }
0x96: {  	s17 =	sld [smem:$0x10];
	(tm) =	ssettm $0x1  }
0x97: {  	s18 =	sld [smem:$0x3FFB];
	_ =	sdelay $0x3  }
0x98: {  	_ =	strace s18  }
0x99: {  	s4 =	sld [smem:$0x3FFC];
	_ =	sdelay $0x3  }
0x9a: {  	_ =	strace s4  }
0x9b: {  	s4 =	sld [smem:$0x3FFD];
	_ =	sdelay $0x3  }
0x9c: {  	_ =	strace s4  }
0x9d: {  	_ =	strace $0x8FFFFFFF  }
0x9e: {  	s19 =	sld [smem:$0x3FDB];
	_ =	sdelay $0x1  }
0x9f: {  	s20 =	simm.s32 $_scs_section_size  }
0xa0: {  	s6 =	simm.s32 $_size__tile_overlayer_lowered;
	s7 =	simm.s32 $_tile_overlayer_lowered  }
0xa1: {  	s23 =	simm.s32 $0x1BFF;
	s22 =	sshll.u32 s7, $0x1;
	s4 =	sadd.s32 s20, s19  }
0xa2: {  	s8 =	simm.s32 $0x0;
	s21 =	sshll.u32 s6, $0x1;
	s6 =	sadd.s32 s22, s4  }
0xa3: {  	[timem:s8], [sflag:s23] =	dma.local [hbm:s6], s21  }
0xa4: {  	_ =	swait.ge [sflag:s23], s21  }
0xa5: {  	s5 =	ssub.s32 $0x0, s21;
	[sflag:s23] =	ssyncset.done $0x0  }
0xa6: {  	[sflag:s23] =	ssyncadd.s32 s5;
	_ =	sdelay $0x1  }
0xa7: {  	s24 =	simm.s32 $0x1B8B  }
0xa8: {  	_ =	swait.ge [sflag:s24], $0x1  }
0xa9: {  	[sflag:s24] =	ssyncset.done $0x0  }
0xaa: {  	s25 =	simm.s32 $0x1B8E;
	[sflag:s24] =	ssyncadd.s32 $0xFFFFFFFF  }
0xab: {  	s26 =	simm.s32 $execute0_lowered;
	[smem:$0x3FD2] =	sst s25  }
0xac: {  	s5 =	sshll.u32 s26, $0x1;
	_ =	strace $0x80000046;
	[dreg:$0x1] =	wrdreg $0xFFFFFFFF  }
0xad: {  	s28 =	simm.s32 $_size_execute0_lowered;
	s4 =	sadd.s32 s4, s5;
	[dreg:$0x0] =	wrdreg $0x0  }
0xae: {  	s5 =	sshll.u32 s28, $0x1;
	[dreg:$0x2] =	wrdreg s4  }
0xaf: {  	[dreg:$0x3] =	wrdreg s5  }
0xb0: {  	[dreg:$0x4] =	wrdreg $0xC0  }
0xb1: {  	_ =	task [dreg:s8], $0x5FFFF  }
0xb2: {  	[dreg:$0x1] =	wrdreg $0xFFFFFFFF  }
0xb3: {  	[dreg:$0x0] =	wrdreg $0x60  }
0xb4: {  	[dreg:$0x2] =	wrdreg s16  }
0xb5: {  	[dreg:$0x3] =	wrdreg s17  }
0xb6: {  	[dreg:$0x4] =	wrdreg $0x9  }
0xb7: {  	_ =	task.clear_ibuf [dreg:s8], $0x5FFFF;
	_ =	strace $0x90000046  }
0xb8: {  	s29 =	simm.s32 $0x9;
	_ =	strace $0x80000048  }
0xb9: {  	_ =	swait.ge [sflag:s29], $0x1  }
0xba: {  	[sflag:s29] =	ssyncadd.s32 $0xFFFFFFFF  }
0xbb: {  	_ =	strace $0x90000048  }
0xbc: {  	_ =	sfence  }
0xbd: {  	s30 =	sld [smem:$0x0];
	_ =	sdelay $0x2  }
0xbe: {  	s31 =	sshll.u32 s1, $0xD;
	s1 =	sshrl.u32 s1, $0x2  }
0xbf: {  	s3 =	sand.u32 $0x4000, s31;
	s1 =	sadd.s32 s1, s30  }
0xc0: {  	s0 =	sor.u32 s3, s0;
	s1 =	sshll.u32 s1, $0x11  }
0xc1: {  	s0 =	sor.u32 s1, s0  }
0xc2: {  	s0 =	sadd.s32 $0x8F2B, s0  }
0xc3: {  	[sflag:s0] =	ssyncadd.remote.s32 $0x1  }
0xc4: {  	_ =	sfence.sel $0xFFFF  }
0xc5: {  	[dreg:$0x0] =	wrdreg $0xFFFFFFFF;
	(pc) =	sbr.abs _section_cstart, $3  }
0xc6: {  	[dreg:$0x1] =	wrdreg $0xFFFFFFFF  }
0xc7: {  	_ =	task.clear_ibuf [dreg:s8], $0x2FFFF;
	_ =	strace $0x9FFFFFFF  }
0xc8: {  	(tm) =	ssettm $0x7FFFFFFF  }
0xc9: {  	_ =	shalt  }
tec
execute0_lowered:
.L_overlay_start_1:
0x0: {  	(tag) =	ssettag $0x1  }
0x1: {  	s0 =	srdreg.scid;
	s2 =	stileid.u32  }
0x2: {  	s1 =	sand.u32 $0x1, s0;
	s18 =	sshll.u32 s2, $0x1  }
0x3: {  	v0 =	vimm.s32 $0xFF01;
	s3 =	sor.u32 s1, s18  }
0x4: {  	v30 =	vimm.s32 $0x211F100;
	v17 =	vunpack.c.0.s8.s32 v0;
	s0 =	smul.u32 $0xA, s3  }
0x5: {  	v30 =	vunpack.c.l.s4.s8 v30  }
0x6: {  	s19 =	sadd.s32 $0xFFFFFFFF, s0;
	v20 =	vadd.s32 s0, v17;
	s21 =	sor.u32 $0x1, s0  }
0x7: {  	v30 =	vunpack.c.0.s8.s32 v30;
	s22 =	sadd.s32 $0x2, s0;
	s23 =	sadd.s32 $0x3, s0;
	s4 =	sshrl.u32 s19, $0x1C;
	vm0 =	vgt.s32 v20, $0x0  }
0x8: {  	s24 =	sadd.s32 $0x4, s0;
	s25 =	sadd.s32 $0x5, s0;
	v25 =	vadd.s32 s21, v17;
	v26 =	vadd.s32 s22, v17;
	v27 =	vadd.s32 s23, v17;
	s4 =	sand.u32 $0x7, s4  }
0x9: {  	v28 =	vadd.s32 s24, v17;
	v29 =	vadd.s32 s25, v17;
	v0 =	vnsel vm0, $0x0, v20;
	s4 =	sadd.s32 s4, s19  }
0xa: {  	s2 =	sshra.s32 s19, $0x1F;
	vm0 =	vgt.s32 v25, $0x0;
	vm1 =	vlt.u32 v25, $0x140;
	vm2 =	vlt.u32 v26, $0x140;
	s4 =	sshrl.u32 s4, $0x3  }
0xb: {  	vm3 =	vlt.u32 v27, $0x140;
	vm4 =	vlt.u32 v28, $0x140;
	vm5 =	vlt.u32 v29, $0x140;
	s2 =	sadd.s32 s4, s2  }
0xc: {  	v1 =	vmin.u32 v0, $0x13F;
	v2 =	vnsel vm0, $0x0, v25;
	vm0 =	vgt.s32 v26, $0x0;
	s2 =	sshll.u32 s2, $0x3  }
0xd: {  	v3 =	vmin.u32 v2, $0x13F;
	v4 =	vnsel vm0, $0x0, v26;
	vm0 =	vgt.s32 v27, $0x0;
	p0 =	sgt.s32 s2, $0x0  }
0xe: {  	v5 =	vmin.u32 v4, $0x13F;
	v6 =	vnsel vm0, $0x0, v27;
	vm0 =	vgt.s32 v28, $0x0;
	s2 =	simm.s32 @!p0 $0x0  }
0xf: {  	v7 =	vmin.u32 v6, $0x13F;
	v8 =	vnsel vm0, $0x0, v28;
	vm0 =	vgt.s32 v29, $0x0;
	s20 =	smin.u32 s2, $0x128  }
0x10: {  	v10 =	vmin.u32 v8, $0x13F;
	v11 =	vnsel vm0, $0x0, v29;
	v21 =	vmov s20  }
0x11: {  	v13 =	vmin.u32 v11, $0x13F;
	v0 =	vsub.s32 v1, v21;
	v1 =	vshll.u32 v1, $0x7  }
0x12: {  	v2 =	vsub.s32 v3, v21;
	v3 =	vshll.u32 v3, $0x7;
	v4 =	vsub.s32 v5, v21  }
0x13: {  	v6 =	vsub.s32 v7, v21;
	v5 =	vshll.u32 v5, $0x7;
	v7 =	vshll.u32 v7, $0x7  }
0x14: {  	v8 =	vsub.s32 v10, v21;
	v10 =	vshll.u32 v10, $0x7;
	v11 =	vsub.s32 v13, v21  }
0x15: {  	v13 =	vshll.u32 v13, $0x7;
	v0 =	vshrl.u32 v0, $0x3;
	v1 =	vand.u32 $0x380, v1  }
0x16: {  	v2 =	vshrl.u32 v2, $0x3;
	v3 =	vand.u32 $0x380, v3;
	v4 =	vshrl.u32 v4, $0x3  }
0x17: {  	s26 =	sadd.s32 $0x6, s0;
	v6 =	vshrl.u32 v6, $0x3;
	v5 =	vand.u32 $0x380, v5;
	v7 =	vand.u32 $0x380, v7  }
0x18: {  	v9 =	vshrl.u32 v8, $0x3;
	v8 =	vadd.s32 s26, v17;
	v10 =	vand.u32 $0x380, v10  }
0x19: {  	v11 =	vshrl.u32 v11, $0x3;
	v13 =	vand.u32 $0x380, v13;
	v0 =	vmul.u32 $0xC00, v0  }
0x1a: {  	v2 =	vmul.u32 $0xC00, v2;
	v4 =	vmul.u32 $0xC00, v4;
	vm0 =	vgt.s32 v8, $0x0  }
0x1b: {  	s29 =	sadd.s32 $0x7, s0;
	v6 =	vmul.u32 $0xC00, v6;
	v9 =	vmul.u32 $0xC00, v9;
	v12 =	vnsel vm0, $0x0, v8  }
0x1c: {  	s7 =	rddreg [dreg:$0x0];
	v11 =	vmul.u32 $0xC00, v11;
	v15 =	vmin.u32 v12, $0x13F;
	v12 =	vadd.s32 s29, v17  }
0x1d: {  	s3 =	smul.u32 $0x3200, s3;
	s6 =	sadd.s32 $0x8, s0;
	s0 =	sadd.s32 $0x9, s0;
	v14 =	vsub.s32 v15, v21;
	vm0 =	vgt.s32 v12, $0x0;
	v18 =	vshll.u32 v15, $0x7  }
0x1e: {  	s5 =	rddreg [dreg:$0x1];
	s15 =	simm.s32 $0x2;
	s28 =	simm.s32 $0x0;
	v15 =	vadd.s32 s6, v17;
	v17 =	vadd.s32 s0, v17;
	v16 =	vnsel vm0, $0x0, v12  }
0x1f: {  	s1 =	ssub.s32 $0x2, s1;
	s18 =	simm.s32 $0x2E00;
	s3 =	sshrl.u32 s3, $0x3;
	v14 =	vshrl.u32 v14, $0x3;
	vm0 =	vgt.s32 v15, $0x0;
	v19 =	vmin.u32 v16, $0x13F  }
0x20: {  	s30 =	sshrl.u32 s1, $0x1;
	s3 =	sadd.s32 s5, s3;
	s21 =	simm.s32 $0x3D00;
	v16 =	vand.u32 $0x380, v18;
	v22 =	vnsel vm0, $0x0, v15;
	vm0 =	vgt.s32 v17, $0x0  }
0x21: {  	s22 =	simm.s32 $0x4200;
	s23 =	simm.s32 $0x4700;
	s24 =	simm.s32 $0x4C00;
	v18 =	vsub.s32 v19, v21;
	v22 =	vmin.u32 v22, $0x13F;
	v19 =	vshll.u32 v19, $0x7  }
0x22: {  	s25 =	simm.s32 $0x5100;
	s5 =	sadd.s32 $0x1E0, s3;
	s8 =	sadd.s32 $0x140, s3;
	v24 =	vnsel vm0, $0x0, v17;
	vm0 =	vlt.u32 v20, $0x140;
	v20 =	vimm.s32 $0x24331322  }
0x23: {  	s9 =	sadd.s32 $0x320, s3;
	s10 =	sadd.s32 $0x3C0, s3;
	s11 =	sadd.s32 $0x460, s3;
	v18 =	vshrl.u32 v18, $0x3;
	v23 =	vsub.s32 v22, v21;
	v31 =	vunpack.c.l.s4.s8 v20  }
0x24: {  	s12 =	sadd.s32 $0x500, s3;
	s13 =	sadd.s32 $0x5A0, s3;
	s2 =	simm.s32 $0x0;
	v24 =	vmin.u32 v24, $0x13F;
	v22 =	vshll.u32 v22, $0x7;
	v23 =	vshrl.u32 v23, $0x3  }
0x25: {  	s19 =	simm.s32 $0x3300;
	[smem:$0x7FF] =	sst s2;
	s4 =	sshrl.u32 s20, $0x3;
	v21 =	vsub.s32 v24, v21;
	v24 =	vshll.u32 v24, $0x7;
	v31 =	vunpack.c.0.s8.s32 v31  }
0x26: {  	s20 =	simm.s32 $0x3800;
	_ =	strace $0x80000047;
	s31 =	smul.u32 $0x180, s4;
	v20 =	vmul.u32 $0xC00, v23;
	v23 =	vshrl.u32 v21, $0x3;
	v21 =	vand.u32 $0x380, v22  }
0x27: {  	s4 =	sadd.s32 $0xA0, s3;
	s26 =	simm.s32 $0x1;
	s0 =	ssub.s32 s1, s30;
	v22 =	vmul.u32 $0xC00, v23;
	v23 =	vand.u32 $0x380, v24;
	v24 =	vcombine.low v30, v31  }
0x28: {  	s7 =	sadd.s32 s7, s31;
	s6 =	sadd.s32 $0x280, s3;
	s14 =	smax.u32 s0, $0x1;
	v14 =	vmul.u32 $0xC00, v14;
	v19 =	vand.u32 $0x380, v19;
	v18 =	vmul.u32 $0xC00, v18  }
.LBB2_1:
0x29: {  	s0 =	simm.s32 $0x4;
	s1 =	simm.s32 $0xC  }
0x2a: {  	v25 =	vadd.s32 s2, v24;
	s31 =	simm.s32 $0x8;
	s17 =	simm.s32 $0x14;
	v26 =	vadd.s32 s0, v24;
	v27 =	vadd.s32 s1, v24  }
0x2b: {  	v28 =	vadd.s32 s31, v24;
	v55 =	vadd.s32 s17, v24;
	vm6 =	vgt.s32 v27, $0x0  }
0x2c: {  	s31 =	simm.s32 $0x18;
	vm7 =	vgt.s32 v26, $0x0;
	vm8 =	vgt.s32 v28, $0x0;
	vm10 =	vlt.u32 v27, $0x140  }
0x2d: {  	v56 =	vadd.s32 s31, v24;
	v29 =	vnsel vm6, $0x0, v27;
	vm6 =	vgt.s32 v25, $0x0  }
0x2e: {  	s16 =	simm.s32 $0x10;
	v30 =	vnsel vm7, $0x0, v26;
	v32 =	vnsel vm8, $0x0, v28;
	vm7 =	vlt.u32 v25, $0x140  }
0x2f: {  	vm8 =	vlt.u32 v28, $0x140;
	v28 =	vadd.s32 s16, v24;
	vm11 =	vgt.s32 v56, $0x0  }
0x30: {  	vm12 =	vlt.u32 v56, $0x140;
	v29 =	vmin.u32 v29, $0x13F;
	v31 =	vnsel vm6, $0x0, v25  }
0x31: {  	s30 =	simm.s32 $0x1C;
	v30 =	vmin.u32 v30, $0x13F;
	v32 =	vmin.u32 v32, $0x13F;
	vm6 =	vlt.u32 v26, $0x140  }
0x32: {  	vm7 =	vmand vm0, vm7;
	vm9 =	vmand vm0, vm8;
	v25 =	vadd.s32 s30, v24  }
0x33: {  	v36 =	vnsel vm11, $0x0, v56;
	v33 =	vshll.u32 v29, $0x3;
	v31 =	vmin.u32 v31, $0x13F  }
0x34: {  	v29 =	vand.u32 $0x7F, v29;
	v34 =	vshll.u32 v30, $0x3;
	v33 =	vand.u32 $0xC00, v33  }
0x35: {  	v35 =	vshll.u32 v32, $0x3;
	v30 =	vand.u32 $0x7F, v30;
	v33 =	vadd.s32 v0, v33  }
0x36: {  	v32 =	vand.u32 $0x7F, v32;
	vm6 =	vmand vm0, vm6;
	v29 =	vor.u32 v29, v33  }
0x37: {  	vm8 =	vmmov vm7;
	vm7 =	vmmov vm9;
	v29 =	vor.u32 v1, v29  }
0x38: {  	[tilespmem:s2], [sflag:$0x2] =	stream.linear.gather [hbm4b:s7+s2], $0x2400, $0x38;
	vm9 =	vmand vm0, vm10;
	vm10 =	vgt.s32 v25, $0x0;
	v36 =	vmin.u32 v36, $0x13F;
	[tilespmem:$0x5600] =	vst v63  }
0x39: {  	_ =	swait.ge [sflag:s15], $0x2400;
	v54 =	vshll.u32 v31, $0x3;
	v34 =	vand.u32 $0xC00, v34;
	v35 =	vand.u32 $0xC00, v35  }
0x3a: {  	[sflag:s15] =	ssyncset.done $0x0;
	v31 =	vand.u32 $0x7F, v31;
	vm6 =	vmmov vm6;
	v27 =	vnsel vm10, $0x0, v25  }
0x3b: {  	[sflag:s15] =	ssyncadd.s32 $0xFFFFDC00;
	vm10 =	vgt.s32 v28, $0x0;
	v34 =	vadd.s32 v0, v34;
	v35 =	vadd.s32 v0, v35  }
0x3c: {  	v27 =	vmin.u32 v27, $0x13F;
	v58 =	vnsel vm10, $0x0, v28;
	vm10 =	vlt.u32 v28, $0x140;
	v29 =	vld.idx.msk [tilespmem:v29+s2+$0x0], $0xffff  }
0x3d: {  	v33 =	vand.u32 $0xC00, v54;
	v30 =	vor.u32 v30, v34;
	v32 =	vor.u32 v32, v35  }
0x3e: {  	v37 =	vshll.u32 v27, $0x3;
	v27 =	vand.u32 $0x7F, v27;
	v30 =	vor.u32 v1, v30  }
0x3f: {  	v35 =	vmin.u32 v58, $0x13F;
	v33 =	vadd.s32 v0, v33;
	v26 =	vor.u32 v1, v32  }
0x40: {  	v37 =	vand.u32 $0xC00, v37;
	v60 =	vshll.u32 v35, $0x3;
	v31 =	vor.u32 v31, v33  }
0x41: {  	v31 =	vor.u32 v1, v31;
	v57 =	vnsel vm9, $0x0, v29;
	vm9 =	vgt.s32 v55, $0x0  }
0x42: {  	v35 =	vand.u32 $0x7F, v35;
	v37 =	vadd.s32 v0, v37;
	v29 =	vnsel vm9, $0x0, v55  }
0x43: {  	v61 =	vand.u32 $0xC00, v60;
	v27 =	vor.u32 v27, v37;
	v39 =	vld.idx.msk [tilespmem:v30+s2+$0x0], $0xffff;
	v29 =	vmin.u32 v29, $0x13F  }
0x44: {  	v30 =	vshll.u32 v36, $0x3;
	v62 =	vld.idx.msk [tilespmem:v26+s2+$0x0], $0xffff;
	v26 =	vor.u32 v1, v27;
	v38 =	vshll.u32 v29, $0x3  }
0x45: {  	v36 =	vand.u32 $0x7F, v36;
	v27 =	vand.u32 $0xC00, v30;
	v59 =	vand.u32 $0xC00, v38  }
0x46: {  	v30 =	vadd.s32 v0, v61;
	v31 =	vld.idx.msk [tilespmem:v31+s2+$0x0], $0xffff;
	v29 =	vand.u32 $0x7F, v29;
	v37 =	vadd.s32 v0, v59  }
0x47: {  	v27 =	vadd.s32 v0, v27;
	v35 =	vor.u32 v35, v30;
	v29 =	vor.u32 v29, v37  }
0x48: {  	vm9 =	vlt.u32 v55, $0x140;
	v30 =	vor.u32 v1, v29;
	v29 =	vor.u32 v36, v27  }
0x49: {  	s29 =	simm.s32 $0x2420;
	v63 =	vnsel vm6, $0x0, v39;
	vm11 =	vmand vm0, vm9;
	v29 =	vor.u32 v1, v29  }
0x4a: {  	v28 =	vld.idx.msk [tilespmem:v26+s2+$0x0], $0xffff;
	[tilespmem:s29+$0x10] =	vst v57;
	vm9 =	vmand vm0, vm10;
	vm10 =	vmand vm0, vm12;
	v27 =	vor.u32 v1, v35  }
0x4b: {  	s0 =	simm.s32 $0x4;
	s1 =	simm.s32 $0x20;
	[tilespmem:s29+$0xFFFFFFF0] =	vst v63;
	v26 =	vnsel vm8, $0x0, v31;
	v31 =	vnsel vm7, $0x0, v62;
	vm6 =	vmmov vm11  }
.LBB2_2:
0x4c: {  	v32 =	vadd.s32 s1, v24  }
0x4d: {  	s30 =	sadd.s32 $0x4, s1;
	s31 =	sadd.s32 $0xC, s1;
	s0 =	sadd.s32 $0x4, s0;
	v33 =	vld.idx.msk [tilespmem:v30+s2+$0x0], $0xffff;
	vm11 =	vlt.u32 v25, $0x140;
	[tilespmem:s29+$0x0] =	vst v31;
	vm8 =	vmmov vm9;
	vm7 =	vmmov vm10  }
0x4e: {  	v31 =	vadd.s32 s30, v24;
	s30 =	sadd.s32 $0x8, s1;
	v25 =	vadd.s32 s31, v24;
	p0 =	slt.u32 s0, $0x4C;
	v34 =	vld.idx.msk [tilespmem:v29+s2+$0x0], $0xffff;
	vm9 =	vmand vm0, vm11;
	[tilespmem:s29+$0xFFFFFFE0] =	vst v26  }
0x4f: {  	s29 =	sadd.s32 $0x40, s29;
	v26 =	vadd.s32 s30, v24;
	vm10 =	vgt.s32 v25, $0x0;
	v35 =	vld.idx.msk [tilespmem:v27+s2+$0x0], $0xffff;
	v27 =	vnsel vm9, $0x0, v28  }
0x50: {  	vm9 =	vgt.s32 v31, $0x0;
	vm11 =	vgt.s32 v26, $0x0;
	v28 =	vnsel vm10, $0x0, v25;
	[tilespmem:s29+$0x10] =	vst v27  }
0x51: {  	vm10 =	vgt.s32 v32, $0x0;
	v27 =	vnsel vm9, $0x0, v31;
	v28 =	vmin.u32 v28, $0x13F  }
0x52: {  	v29 =	vnsel vm10, $0x0, v32;
	v30 =	vnsel vm11, $0x0, v26;
	v36 =	vshll.u32 v28, $0x3  }
0x53: {  	v27 =	vmin.u32 v27, $0x13F;
	v30 =	vmin.u32 v30, $0x13F;
	v36 =	vand.u32 $0xC00, v36  }
0x54: {  	v29 =	vmin.u32 v29, $0x13F;
	v28 =	vand.u32 $0x7F, v28;
	v36 =	vadd.s32 v0, v36  }
0x55: {  	v37 =	vshll.u32 v27, $0x3;
	v38 =	vshll.u32 v30, $0x3;
	v28 =	vor.u32 v28, v36  }
0x56: {  	v37 =	vand.u32 $0xC00, v37;
	v36 =	vshll.u32 v29, $0x3;
	v28 =	vor.u32 v1, v28  }
0x57: {  	v37 =	vadd.s32 v0, v37;
	v38 =	vand.u32 $0xC00, v38;
	v36 =	vand.u32 $0xC00, v36  }
0x58: {  	v27 =	vand.u32 $0x7F, v27;
	v38 =	vadd.s32 v0, v38;
	v36 =	vadd.s32 v0, v36  }
0x59: {  	v29 =	vand.u32 $0x7F, v29;
	v27 =	vor.u32 v27, v37;
	v37 =	vand.u32 $0x7F, v30  }
.Ltmp0:
0x5a: {  	v30 =	vor.u32 v1, v27;
	v29 =	vor.u32 v29, v36;
	v36 =	vor.u32 v37, v38;
	(pc) =	sbr.rel @p0 .LBB2_2-.Ltmp0, $4  }
0x5b: {  	vm9 =	vlt.u32 v31, $0x140;
	v27 =	vor.u32 v1, v29;
	v29 =	vor.u32 v1, v36;
	v28 =	vld.idx.msk [tilespmem:v28+s2+$0x0], $0xffff  }
0x5c: {  	vm12 =	vlt.u32 v26, $0x140;
	vm10 =	vlt.u32 v32, $0x140;
	vm11 =	vmand vm0, vm9  }
0x5d: {  	vm9 =	vmand vm0, vm10;
	vm10 =	vmand vm0, vm12;
	v31 =	vnsel vm6, $0x0, v33  }
0x5e: {  	s1 =	sadd.s32 $0x10, s1;
	vm6 =	vmmov vm11;
	v26 =	vnsel vm8, $0x0, v35;
	[tilespmem:s29+$0xFFFFFFF0] =	vst v31;
	v31 =	vnsel vm7, $0x0, v34  }
0x5f: {  	_ =	sdelay $0x3  }
0x60: {  	v30 =	vld.idx.msk [tilespmem:v30+s2+$0x0], $0xffff  }
0x61: {  	v27 =	vld.idx.msk [tilespmem:v27+s2+$0x0], $0xffff;
	vm7 =	vlt.u32 v25, $0x140;
	vm8 =	vmmov vm9;
	s1 =	simm.s32 $0x8  }
0x62: {  	v29 =	vld.idx.msk [tilespmem:v29+s2+$0x0], $0xffff;
	vm9 =	vmmov vm10;
	s16 =	simm.s32 $0x4;
	vm7 =	vmand vm0, vm7;
	v32 =	vadd.s32 s1, v24  }
0x63: {  	s17 =	simm.s32 $0x0;
	v33 =	vadd.s32 s16, v24;
	v25 =	vnsel vm7, $0x0, v28;
	vm7 =	vgt.s32 v32, $0x0  }
0x64: {  	v34 =	vadd.s32 s17, v24;
	vm10 =	vlt.u32 v32, $0x140;
	v35 =	vnsel vm7, $0x0, v32  }
0x65: {  	vm7 =	vgt.s32 v34, $0x0;
	vm10 =	vmand vm1, vm10;
	v35 =	vmin.u32 v35, $0x13F  }
0x66: {  	s0 =	simm.s32 $0xC;
	v37 =	vnsel vm7, $0x0, v34;
	vm7 =	vlt.u32 v33, $0x140;
	v28 =	vnsel vm6, $0x0, v30  }
0x67: {  	v27 =	vnsel vm8, $0x0, v27;
	v30 =	vadd.s32 s0, v24;
	v29 =	vnsel vm9, $0x0, v29  }
0x68: {  	vm8 =	vgt.s32 v33, $0x0;
	v38 =	vshll.u32 v35, $0x3;
	v37 =	vmin.u32 v37, $0x13F  }
0x69: {  	v35 =	vand.u32 $0x7F, v35;
	vm7 =	vmand vm1, vm7;
	vm6 =	vgt.s32 v30, $0x0  }
0x6a: {  	v36 =	vnsel vm8, $0x0, v33;
	v38 =	vand.u32 $0xC00, v38;
	v48 =	vshll.u32 v37, $0x3  }
0x6b: {  	vm8 =	vlt.u32 v30, $0x140;
	v39 =	vnsel vm6, $0x0, v30;
	v36 =	vmin.u32 v36, $0x13F  }
0x6c: {  	[tilespmem:s29+$0x0] =	vst v31;
	s17 =	simm.s32 $0x1C;
	v31 =	vadd.s32 v2, v38;
	v49 =	vand.u32 $0xC00, v48;
	vm6 =	vlt.u32 v34, $0x140  }
0x6d: {  	[tilespmem:s29+$0xFFFFFFE0] =	vst v26;
	s1 =	sadd.s32 $0x40, s29;
	vm9 =	vmand vm1, vm8;
	v30 =	vadd.s32 s17, v24;
	v47 =	vmin.u32 v39, $0x13F  }
0x6e: {  	[tilespmem:s1+$0x10] =	vst v25;
	v26 =	vor.u32 v35, v31;
	v31 =	vshll.u32 v36, $0x3;
	v35 =	vadd.s32 v2, v49  }
0x6f: {  	[tilespmem:s1+$0xFFFFFFE0] =	vst v27;
	v27 =	vand.u32 $0x7F, v36;
	vm6 =	vmand vm1, vm6;
	v25 =	vor.u32 v3, v26  }
0x70: {  	[tilespmem:s1+$0xFFFFFFF0] =	vst v28;
	v26 =	vshll.u32 v47, $0x3;
	v28 =	vand.u32 $0xC00, v31;
	v31 =	vand.u32 $0x7F, v37  }
0x71: {  	vm8 =	vmmov vm6;
	vm6 =	vmmov vm7;
	vm7 =	vmmov vm9  }
0x72: {  	s16 =	simm.s32 $0x2400;
	[tilespmem:s1+$0x0] =	vst v29;
	s1 =	simm.s32 $0x18;
	vm9 =	vgt.s32 v30, $0x0;
	v26 =	vand.u32 $0xC00, v26;
	v28 =	vadd.s32 v2, v28  }
0x73: {  	[hbm4b:s3+s2] =	stream.linear.scatter [tilespmem:s16], [sflag:$0x1], $0x500, $0x38;
	v29 =	vor.u32 v31, v35;
	v31 =	vand.u32 $0x7F, v47;
	v55 =	vnsel vm9, $0x0, v30;
	[tilespmem:$0x5600] =	vst v63  }
0x74: {  	v26 =	vadd.s32 v2, v26;
	v27 =	vor.u32 v27, v28;
	v28 =	vld.idx.msk [tilespmem:v25+s2+$0x0], $0xffff;
	v25 =	vadd.s32 s1, v24  }
0x75: {  	v29 =	vor.u32 v3, v29;
	v37 =	vmin.u32 v55, $0x13F;
	vm11 =	vgt.s32 v25, $0x0  }
0x76: {  	s16 =	simm.s32 $0x14;
	v26 =	vor.u32 v31, v26;
	v27 =	vor.u32 v3, v27;
	v51 =	vnsel vm11, $0x0, v25  }
0x77: {  	v31 =	vadd.s32 s16, v24;
	v60 =	vshll.u32 v37, $0x3;
	v33 =	vmin.u32 v51, $0x13F  }
0x78: {  	s17 =	simm.s32 $0x10;
	v63 =	vand.u32 $0x7F, v37;
	v26 =	vor.u32 v3, v26;
	v54 =	vshll.u32 v33, $0x3  }
0x79: {  	v33 =	vand.u32 $0x7F, v33;
	v50 =	vnsel vm10, $0x0, v28;
	v28 =	vadd.s32 s17, v24  }
0x7a: {  	vm10 =	vgt.s32 v31, $0x0;
	v36 =	vand.u32 $0xC00, v54;
	vm11 =	vgt.s32 v28, $0x0  }
0x7b: {  	v52 =	vnsel vm10, $0x0, v31;
	v36 =	vadd.s32 v2, v36;
	vm9 =	vlt.u32 v28, $0x140  }
0x7c: {  	vm10 =	vlt.u32 v30, $0x140;
	v53 =	vnsel vm11, $0x0, v28;
	v34 =	vmin.u32 v52, $0x13F  }
0x7d: {  	v33 =	vor.u32 v33, v36;
	vm11 =	vmand vm1, vm9;
	v35 =	vmin.u32 v53, $0x13F  }
0x7e: {  	v59 =	vld.idx.msk [tilespmem:v29+s2+$0x0], $0xffff;
	vm9 =	vlt.u32 v31, $0x140;
	v58 =	vshll.u32 v34, $0x3;
	v56 =	vshll.u32 v35, $0x3  }
0x7f: {  	v27 =	vld.idx.msk [tilespmem:v27+s2+$0x0], $0xffff;
	v33 =	vor.u32 v3, v33;
	v34 =	vand.u32 $0x7F, v34;
	v57 =	vand.u32 $0xC00, v56  }
0x80: {  	v62 =	vld.idx.msk [tilespmem:v26+s2+$0x0], $0xffff;
	v35 =	vand.u32 $0x7F, v35;
	v61 =	vand.u32 $0xC00, v58;
	v36 =	vadd.s32 v2, v57  }
0x81: {  	v29 =	vor.u32 v35, v36;
	v35 =	vand.u32 $0xC00, v60;
	v36 =	vadd.s32 v2, v61  }
0x82: {  	s1 =	simm.s32 $0x20;
	v26 =	vadd.s32 v2, v35;
	v29 =	vor.u32 v3, v29;
	v34 =	vor.u32 v34, v36  }
0x83: {  	s31 =	simm.s32 $0x4;
	s16 =	simm.s32 $0x0;
	s0 =	sand.u32 $0x7E0, s1;
	vm10 =	vmand vm1, vm10;
	v26 =	vor.u32 v63, v26;
	v28 =	vor.u32 v3, v34  }
0x84: {  	s29 =	simm.s32 $0x30;
	s16 =	sand.u32 $0x7C0, s16;
	s17 =	simm.s32 $0x10;
	[tilespmem:s0+$0x2900] =	vst v50;
	v31 =	vnsel vm8, $0x0, v59;
	vm9 =	vmand vm1, vm9;
	v30 =	vld.idx.msk [tilespmem:v33+s2+$0x0], $0xffff;
	v26 =	vor.u32 v3, v26  }
0x85: {  	s30 =	sand.u32 $0x7F0, s29;
	s1 =	sand.u32 $0x7D0, s17;
	s0 =	simm.s32 $0x2C;
	[tilespmem:s16+$0x2900] =	vst v31;
	v31 =	vnsel vm6, $0x0, v27;
	vm6 =	vmmov vm11;
	v27 =	vnsel vm7, $0x0, v62  }
.LBB2_4:
0x86: {  	v32 =	vadd.s32 s0, v24  }
0x87: {  	s16 =	sadd.s32 $0xFFFFFFFC, s0;
	s31 =	sadd.s32 $0x4, s31;
	v33 =	vld.idx.msk [tilespmem:v29+s2+$0x0], $0xffff;
	vm11 =	vlt.u32 v25, $0x140;
	[tilespmem:s1+$0x2900] =	vst v31;
	s29 =	sadd.s32 $0x40, s29;
	vm7 =	vmmov vm9;
	vm8 =	vmmov vm10  }
0x88: {  	s1 =	sadd.s32 $0xFFFFFFF8, s0;
	v25 =	vadd.s32 s16, v24;
	vm9 =	vgt.s32 v32, $0x0;
	p0 =	slt.u32 s31, $0x4C;
	v31 =	vld.idx.msk [tilespmem:v28+s2+$0x0], $0xffff;
	vm10 =	vmand vm1, vm11;
	s16 =	sadd.s32 $0xFFFFFFF0, s29;
	[tilespmem:s30+$0x2900] =	vst v27  }
0x89: {  	s30 =	sadd.s32 $0xFFFFFFF4, s0;
	v27 =	vadd.s32 s1, v24;
	s1 =	sadd.s32 $0xFFFFFFD0, s29;
	vm11 =	vgt.s32 v25, $0x0;
	v28 =	vnsel vm10, $0x0, v30;
	s16 =	sand.u32 $0x7E0, s16;
	v34 =	vld.idx.msk [tilespmem:v26+s2+$0x0], $0xffff  }
0x8a: {  	v26 =	vadd.s32 s30, v24;
	vm10 =	vgt.s32 v27, $0x0;
	s17 =	sand.u32 $0x7C0, s1;
	s1 =	sadd.s32 $0xFFFFFFE0, s29;
	s30 =	sand.u32 $0x7F0, s29;
	v29 =	vnsel vm11, $0x0, v25;
	[tilespmem:s16+$0x2900] =	vst v28  }
0x8b: {  	vm11 =	vgt.s32 v26, $0x0;
	v28 =	vnsel vm10, $0x0, v27;
	s1 =	sand.u32 $0x7D0, s1;
	v29 =	vmin.u32 v29, $0x13F  }
0x8c: {  	v36 =	vnsel vm9, $0x0, v32;
	v30 =	vnsel vm11, $0x0, v26;
	v35 =	vshll.u32 v29, $0x3  }
0x8d: {  	v28 =	vmin.u32 v28, $0x13F;
	v30 =	vmin.u32 v30, $0x13F;
	v35 =	vand.u32 $0xC00, v35  }
0x8e: {  	v36 =	vmin.u32 v36, $0x13F;
	v29 =	vand.u32 $0x7F, v29;
	v35 =	vadd.s32 v2, v35  }
0x8f: {  	v38 =	vshll.u32 v28, $0x3;
	v37 =	vshll.u32 v30, $0x3;
	v29 =	vor.u32 v29, v35  }
0x90: {  	v35 =	vand.u32 $0xC00, v37;
	v37 =	vor.u32 v3, v29;
	v29 =	vshll.u32 v36, $0x3  }
0x91: {  	v38 =	vand.u32 $0xC00, v38;
	v35 =	vadd.s32 v2, v35;
	v29 =	vand.u32 $0xC00, v29  }
0x92: {  	v30 =	vand.u32 $0x7F, v30;
	v38 =	vadd.s32 v2, v38;
	v39 =	vadd.s32 v2, v29  }
0x93: {  	v28 =	vand.u32 $0x7F, v28;
	v29 =	vor.u32 v30, v35;
	v30 =	vand.u32 $0x7F, v36  }
.Ltmp1:
0x94: {  	v28 =	vor.u32 v28, v38;
	v29 =	vor.u32 v3, v29;
	v35 =	vor.u32 v30, v39;
	(pc) =	sbr.rel @p0 .LBB2_4-.Ltmp1, $4  }
0x95: {  	vm9 =	vlt.u32 v26, $0x140;
	v28 =	vor.u32 v3, v28;
	v26 =	vor.u32 v3, v35;
	v30 =	vld.idx.msk [tilespmem:v37+s2+$0x0], $0xffff  }
0x96: {  	vm10 =	vlt.u32 v32, $0x140;
	vm11 =	vmand vm1, vm9;
	vm9 =	vlt.u32 v27, $0x140  }
0x97: {  	vm10 =	vmand vm1, vm10;
	vm9 =	vmand vm1, vm9;
	v27 =	vnsel vm6, $0x0, v33  }
0x98: {  	s0 =	sadd.s32 $0x10, s0;
	vm6 =	vmmov vm11;
	v31 =	vnsel vm7, $0x0, v31;
	[tilespmem:s17+$0x2900] =	vst v27;
	v27 =	vnsel vm8, $0x0, v34  }
0x99: {  	_ =	sdelay $0x3  }
0x9a: {  	v29 =	vld.idx.msk [tilespmem:v29+s2+$0x0], $0xffff  }
0x9b: {  	v28 =	vld.idx.msk [tilespmem:v28+s2+$0x0], $0xffff;
	vm7 =	vlt.u32 v25, $0x140;
	vm8 =	vmmov vm9;
	s16 =	simm.s32 $0x8  }
0x9c: {  	v26 =	vld.idx.msk [tilespmem:v26+s2+$0x0], $0xffff;
	vm9 =	vmmov vm10;
	s0 =	simm.s32 $0xC;
	s17 =	simm.s32 $0x0;
	vm7 =	vmand vm1, vm7;
	v32 =	vadd.s32 s16, v24  }
0x9d: {  	v34 =	vadd.s32 s17, v24;
	v25 =	vnsel vm7, $0x0, v30;
	v30 =	vadd.s32 s0, v24;
	s0 =	simm.s32 $0x4  }
0x9e: {  	vm7 =	vgt.s32 v32, $0x0;
	vm10 =	vlt.u32 v32, $0x140;
	v33 =	vadd.s32 s0, v24  }
0x9f: {  	v35 =	vnsel vm7, $0x0, v32;
	vm7 =	vgt.s32 v34, $0x0;
	vm10 =	vmand vm2, vm10  }
0xa0: {  	v35 =	vmin.u32 v35, $0x13F;
	v37 =	vnsel vm7, $0x0, v34;
	vm7 =	vlt.u32 v33, $0x140  }
0xa1: {  	v29 =	vnsel vm6, $0x0, v29;
	v28 =	vnsel vm8, $0x0, v28;
	v26 =	vnsel vm9, $0x0, v26  }
0xa2: {  	vm6 =	vgt.s32 v30, $0x0;
	vm8 =	vgt.s32 v33, $0x0;
	v38 =	vshll.u32 v35, $0x3  }
0xa3: {  	v37 =	vmin.u32 v37, $0x13F;
	v35 =	vand.u32 $0x7F, v35;
	vm7 =	vmand vm2, vm7  }
0xa4: {  	s0 =	sadd.s32 $0x40, s29;
	v36 =	vnsel vm8, $0x0, v33;
	v39 =	vnsel vm6, $0x0, v30;
	v38 =	vand.u32 $0xC00, v38  }
0xa5: {  	[tilespmem:s1+$0x2900] =	vst v31;
	s16 =	sadd.s32 $0xFFFFFFF0, s0;
	s17 =	sadd.s32 $0xFFFFFFD0, s0;
	v47 =	vshll.u32 v37, $0x3;
	vm6 =	vlt.u32 v34, $0x140;
	vm8 =	vlt.u32 v30, $0x140  }
0xa6: {  	[tilespmem:s30+$0x2900] =	vst v27;
	s1 =	sand.u32 $0x7E0, s16;
	s16 =	sand.u32 $0x7C0, s17;
	s17 =	sadd.s32 $0xFFFFFFE0, s0;
	v36 =	vmin.u32 v36, $0x13F;
	v31 =	vadd.s32 v4, v38;
	v46 =	vmin.u32 v39, $0x13F  }
0xa7: {  	[tilespmem:s1+$0x2900] =	vst v25;
	s17 =	sand.u32 $0x7D0, s17;
	v48 =	vand.u32 $0xC00, v47;
	vm6 =	vmand vm2, vm6;
	vm9 =	vmand vm2, vm8  }
0xa8: {  	s0 =	sand.u32 $0x7F0, s0;
	[tilespmem:s17+$0x2900] =	vst v28;
	s17 =	simm.s32 $0x1C;
	v27 =	vor.u32 v35, v31;
	v31 =	vshll.u32 v36, $0x3;
	v35 =	vadd.s32 v4, v48  }
0xa9: {  	[tilespmem:s0+$0x2900] =	vst v26;
	v26 =	vand.u32 $0x7F, v36;
	vm8 =	vmmov vm6;
	v30 =	vadd.s32 s17, v24  }
0xaa: {  	[tilespmem:s16+$0x2900] =	vst v29;
	vm6 =	vmmov vm7;
	v25 =	vor.u32 v5, v27;
	v29 =	vand.u32 $0xC00, v31  }
0xab: {  	vm7 =	vmmov vm9;
	v27 =	vshll.u32 v46, $0x3;
	v28 =	vadd.s32 v4, v29  }
0xac: {  	v31 =	vand.u32 $0x7F, v37;
	vm9 =	vgt.s32 v30, $0x0;
	v26 =	vor.u32 v26, v28  }
0xad: {  	s16 =	simm.s32 $0x2900;
	s1 =	simm.s32 $0x18;
	v27 =	vand.u32 $0xC00, v27;
	v29 =	vor.u32 v31, v35;
	v26 =	vor.u32 v5, v26  }
0xae: {  	[hbm4b:s4+s2] =	stream.linear.scatter [tilespmem:s16], [sflag:$0x1], $0x500, $0x38;
	v31 =	vand.u32 $0x7F, v46;
	v54 =	vnsel vm9, $0x0, v30;
	v27 =	vadd.s32 v4, v27;
	[tilespmem:$0x5600] =	vst v63  }
0xaf: {  	s16 =	simm.s32 $0x14;
	v29 =	vor.u32 v5, v29;
	v37 =	vmin.u32 v54, $0x13F;
	v28 =	vld.idx.msk [tilespmem:v25+s2+$0x0], $0xffff;
	v25 =	vadd.s32 s1, v24  }
0xb0: {  	v27 =	vor.u32 v31, v27;
	v31 =	vadd.s32 s16, v24;
	vm11 =	vgt.s32 v25, $0x0  }
0xb1: {  	v59 =	vshll.u32 v37, $0x3;
	v63 =	vand.u32 $0x7F, v37;
	v50 =	vnsel vm11, $0x0, v25  }
0xb2: {  	v27 =	vor.u32 v5, v27;
	v33 =	vmin.u32 v50, $0x13F;
	v61 =	vld.idx.msk [tilespmem:v26+s2+$0x0], $0xffff;
	v26 =	vand.u32 $0xC00, v59  }
0xb3: {  	s17 =	simm.s32 $0x10;
	v53 =	vshll.u32 v33, $0x3;
	v33 =	vand.u32 $0x7F, v33;
	v26 =	vadd.s32 v4, v26  }
0xb4: {  	v49 =	vnsel vm10, $0x0, v28;
	v28 =	vadd.s32 s17, v24;
	vm10 =	vgt.s32 v31, $0x0  }
0xb5: {  	v36 =	vand.u32 $0xC00, v53;
	v26 =	vor.u32 v63, v26;
	vm11 =	vgt.s32 v28, $0x0  }
0xb6: {  	v51 =	vnsel vm10, $0x0, v31;
	v36 =	vadd.s32 v4, v36;
	v52 =	vnsel vm11, $0x0, v28  }
0xb7: {  	vm9 =	vlt.u32 v28, $0x140;
	v26 =	vor.u32 v5, v26;
	v35 =	vmin.u32 v52, $0x13F  }
0xb8: {  	v34 =	vmin.u32 v51, $0x13F;
	v33 =	vor.u32 v33, v36;
	v55 =	vshll.u32 v35, $0x3  }
0xb9: {  	v58 =	vld.idx.msk [tilespmem:v29+s2+$0x0], $0xffff;
	v57 =	vshll.u32 v34, $0x3;
	v33 =	vor.u32 v5, v33;
	v56 =	vand.u32 $0xC00, v55  }
0xba: {  	v27 =	vld.idx.msk [tilespmem:v27+s2+$0x0], $0xffff;
	v35 =	vand.u32 $0x7F, v35;
	v60 =	vand.u32 $0xC00, v57;
	v36 =	vadd.s32 v4, v56  }
0xbb: {  	v34 =	vand.u32 $0x7F, v34;
	v62 =	vadd.s32 v4, v60;
	v29 =	vor.u32 v35, v36  }
0xbc: {  	s1 =	simm.s32 $0x20;
	vm10 =	vlt.u32 v30, $0x140;
	v34 =	vor.u32 v34, v62;
	v29 =	vor.u32 v5, v29  }
0xbd: {  	s31 =	simm.s32 $0x4;
	s16 =	simm.s32 $0x0;
	s0 =	sand.u32 $0x7E0, s1;
	vm11 =	vmand vm2, vm9;
	vm9 =	vlt.u32 v31, $0x140;
	v28 =	vor.u32 v5, v34  }
0xbe: {  	s29 =	simm.s32 $0x30;
	s16 =	sand.u32 $0x7C0, s16;
	s17 =	simm.s32 $0x10;
	[tilespmem:s0+$0x2E00] =	vst v49;
	vm10 =	vmand vm2, vm10;
	v31 =	vnsel vm8, $0x0, v58;
	vm9 =	vmand vm2, vm9;
	v30 =	vld.idx.msk [tilespmem:v33+s2+$0x0], $0xffff  }
0xbf: {  	s30 =	sand.u32 $0x7F0, s29;
	s1 =	sand.u32 $0x7D0, s17;
	s0 =	simm.s32 $0x2C;
	[tilespmem:s16+$0x2E00] =	vst v31;
	v31 =	vnsel vm6, $0x0, v61;
	vm6 =	vmmov vm11;
	v27 =	vnsel vm7, $0x0, v27  }
.LBB2_6:
0xc0: {  	v32 =	vadd.s32 s0, v24  }
0xc1: {  	s16 =	sadd.s32 $0xFFFFFFFC, s0;
	s31 =	sadd.s32 $0x4, s31;
	v33 =	vld.idx.msk [tilespmem:v29+s2+$0x0], $0xffff;
	vm11 =	vlt.u32 v25, $0x140;
	[tilespmem:s1+$0x2E00] =	vst v31;
	s29 =	sadd.s32 $0x40, s29;
	vm7 =	vmmov vm9;
	vm8 =	vmmov vm10  }
0xc2: {  	s1 =	sadd.s32 $0xFFFFFFF8, s0;
	v25 =	vadd.s32 s16, v24;
	vm9 =	vgt.s32 v32, $0x0;
	p0 =	slt.u32 s31, $0x4C;
	v31 =	vld.idx.msk [tilespmem:v28+s2+$0x0], $0xffff;
	vm10 =	vmand vm2, vm11;
	s16 =	sadd.s32 $0xFFFFFFF0, s29;
	[tilespmem:s30+$0x2E00] =	vst v27  }
0xc3: {  	s17 =	sadd.s32 $0xFFFFFFF4, s0;
	v27 =	vadd.s32 s1, v24;
	s1 =	sadd.s32 $0xFFFFFFD0, s29;
	vm11 =	vgt.s32 v25, $0x0;
	v28 =	vnsel vm10, $0x0, v30;
	s16 =	sand.u32 $0x7E0, s16;
	v34 =	vld.idx.msk [tilespmem:v26+s2+$0x0], $0xffff  }
0xc4: {  	s30 =	sand.u32 $0x7F0, s29;
	v26 =	vadd.s32 s17, v24;
	vm10 =	vgt.s32 v27, $0x0;
	s17 =	sand.u32 $0x7C0, s1;
	s1 =	sadd.s32 $0xFFFFFFE0, s29;
	v29 =	vnsel vm11, $0x0, v25;
	[tilespmem:s16+$0x2E00] =	vst v28  }
0xc5: {  	vm11 =	vgt.s32 v26, $0x0;
	v28 =	vnsel vm10, $0x0, v27;
	s1 =	sand.u32 $0x7D0, s1;
	v29 =	vmin.u32 v29, $0x13F  }
0xc6: {  	v36 =	vnsel vm9, $0x0, v32;
	v30 =	vnsel vm11, $0x0, v26;
	v35 =	vshll.u32 v29, $0x3  }
0xc7: {  	v28 =	vmin.u32 v28, $0x13F;
	v30 =	vmin.u32 v30, $0x13F;
	v35 =	vand.u32 $0xC00, v35  }
0xc8: {  	v36 =	vmin.u32 v36, $0x13F;
	v29 =	vand.u32 $0x7F, v29;
	v35 =	vadd.s32 v4, v35  }
0xc9: {  	v38 =	vshll.u32 v28, $0x3;
	v37 =	vshll.u32 v30, $0x3;
	v29 =	vor.u32 v29, v35  }
0xca: {  	v35 =	vand.u32 $0xC00, v37;
	v37 =	vor.u32 v5, v29;
	v29 =	vshll.u32 v36, $0x3  }
0xcb: {  	v38 =	vand.u32 $0xC00, v38;
	v35 =	vadd.s32 v4, v35;
	v29 =	vand.u32 $0xC00, v29  }
0xcc: {  	v30 =	vand.u32 $0x7F, v30;
	v38 =	vadd.s32 v4, v38;
	v39 =	vadd.s32 v4, v29  }
0xcd: {  	v28 =	vand.u32 $0x7F, v28;
	v29 =	vor.u32 v30, v35;
	v30 =	vand.u32 $0x7F, v36  }
.Ltmp2:
0xce: {  	v28 =	vor.u32 v28, v38;
	v29 =	vor.u32 v5, v29;
	v35 =	vor.u32 v30, v39;
	(pc) =	sbr.rel @p0 .LBB2_6-.Ltmp2, $4  }
0xcf: {  	vm9 =	vlt.u32 v26, $0x140;
	v28 =	vor.u32 v5, v28;
	v26 =	vor.u32 v5, v35;
	v30 =	vld.idx.msk [tilespmem:v37+s2+$0x0], $0xffff  }
0xd0: {  	vm10 =	vlt.u32 v32, $0x140;
	vm11 =	vmand vm2, vm9;
	vm9 =	vlt.u32 v27, $0x140  }
0xd1: {  	vm10 =	vmand vm2, vm10;
	vm9 =	vmand vm2, vm9;
	v27 =	vnsel vm6, $0x0, v33  }
0xd2: {  	s0 =	sadd.s32 $0x10, s0;
	vm6 =	vmmov vm11;
	v31 =	vnsel vm7, $0x0, v31;
	[tilespmem:s17+$0x2E00] =	vst v27;
	v27 =	vnsel vm8, $0x0, v34  }
0xd3: {  	_ =	sdelay $0x3  }
0xd4: {  	v29 =	vld.idx.msk [tilespmem:v29+s2+$0x0], $0xffff  }
0xd5: {  	v28 =	vld.idx.msk [tilespmem:v28+s2+$0x0], $0xffff;
	vm7 =	vlt.u32 v25, $0x140;
	vm8 =	vmmov vm9;
	s16 =	simm.s32 $0x8  }
0xd6: {  	v26 =	vld.idx.msk [tilespmem:v26+s2+$0x0], $0xffff;
	vm9 =	vmmov vm10;
	s0 =	simm.s32 $0xC;
	s17 =	simm.s32 $0x0;
	vm7 =	vmand vm2, vm7;
	v32 =	vadd.s32 s16, v24  }
0xd7: {  	v34 =	vadd.s32 s17, v24;
	v25 =	vnsel vm7, $0x0, v30;
	v30 =	vadd.s32 s0, v24;
	s0 =	simm.s32 $0x4  }
0xd8: {  	vm7 =	vgt.s32 v32, $0x0;
	vm10 =	vlt.u32 v32, $0x140;
	v33 =	vadd.s32 s0, v24  }
0xd9: {  	v35 =	vnsel vm7, $0x0, v32;
	vm7 =	vgt.s32 v34, $0x0;
	vm10 =	vmand vm3, vm10  }
0xda: {  	v35 =	vmin.u32 v35, $0x13F;
	v37 =	vnsel vm7, $0x0, v34;
	vm7 =	vlt.u32 v33, $0x140  }
0xdb: {  	v29 =	vnsel vm6, $0x0, v29;
	v28 =	vnsel vm8, $0x0, v28;
	v26 =	vnsel vm9, $0x0, v26  }
0xdc: {  	vm6 =	vgt.s32 v30, $0x0;
	vm8 =	vgt.s32 v33, $0x0;
	v38 =	vshll.u32 v35, $0x3  }
0xdd: {  	v37 =	vmin.u32 v37, $0x13F;
	v35 =	vand.u32 $0x7F, v35;
	vm7 =	vmand vm3, vm7  }
0xde: {  	s0 =	sadd.s32 $0x40, s29;
	v36 =	vnsel vm8, $0x0, v33;
	v39 =	vnsel vm6, $0x0, v30;
	v38 =	vand.u32 $0xC00, v38  }
0xdf: {  	[tilespmem:s1+$0x2E00] =	vst v31;
	s16 =	sadd.s32 $0xFFFFFFF0, s0;
	s17 =	sadd.s32 $0xFFFFFFD0, s0;
	v47 =	vshll.u32 v37, $0x3;
	vm6 =	vlt.u32 v34, $0x140;
	vm8 =	vlt.u32 v30, $0x140  }
0xe0: {  	[tilespmem:s30+$0x2E00] =	vst v27;
	s1 =	sand.u32 $0x7E0, s16;
	s16 =	sand.u32 $0x7C0, s17;
	s17 =	sadd.s32 $0xFFFFFFE0, s0;
	v36 =	vmin.u32 v36, $0x13F;
	v31 =	vadd.s32 v6, v38;
	v46 =	vmin.u32 v39, $0x13F  }
0xe1: {  	[tilespmem:s1+$0x2E00] =	vst v25;
	s17 =	sand.u32 $0x7D0, s17;
	v48 =	vand.u32 $0xC00, v47;
	vm6 =	vmand vm3, vm6;
	vm9 =	vmand vm3, vm8  }
0xe2: {  	s0 =	sand.u32 $0x7F0, s0;
	[tilespmem:s17+$0x2E00] =	vst v28;
	s17 =	simm.s32 $0x1C;
	v27 =	vor.u32 v35, v31;
	v31 =	vshll.u32 v36, $0x3;
	v35 =	vadd.s32 v6, v48  }
0xe3: {  	[tilespmem:s0+$0x2E00] =	vst v26;
	v26 =	vand.u32 $0x7F, v36;
	vm8 =	vmmov vm6;
	v30 =	vadd.s32 s17, v24  }
0xe4: {  	[tilespmem:s16+$0x2E00] =	vst v29;
	vm6 =	vmmov vm7;
	v25 =	vor.u32 v7, v27;
	v29 =	vand.u32 $0xC00, v31  }
0xe5: {  	vm7 =	vmmov vm9;
	v27 =	vshll.u32 v46, $0x3;
	v28 =	vadd.s32 v6, v29  }
0xe6: {  	v31 =	vand.u32 $0x7F, v37;
	vm9 =	vgt.s32 v30, $0x0;
	v26 =	vor.u32 v26, v28  }
0xe7: {  	s1 =	simm.s32 $0x18;
	v27 =	vand.u32 $0xC00, v27;
	v29 =	vor.u32 v31, v35;
	v26 =	vor.u32 v7, v26  }
0xe8: {  	[hbm4b:s8+s2] =	stream.linear.scatter [tilespmem:s18], [sflag:$0x1], $0x500, $0x38;
	v31 =	vand.u32 $0x7F, v46;
	v54 =	vnsel vm9, $0x0, v30;
	v27 =	vadd.s32 v6, v27;
	[tilespmem:$0x5600] =	vst v63  }
0xe9: {  	s16 =	simm.s32 $0x14;
	v29 =	vor.u32 v7, v29;
	v37 =	vmin.u32 v54, $0x13F;
	v28 =	vld.idx.msk [tilespmem:v25+s2+$0x0], $0xffff;
	v25 =	vadd.s32 s1, v24  }
0xea: {  	v27 =	vor.u32 v31, v27;
	v31 =	vadd.s32 s16, v24;
	vm11 =	vgt.s32 v25, $0x0  }
0xeb: {  	v59 =	vshll.u32 v37, $0x3;
	v63 =	vand.u32 $0x7F, v37;
	v50 =	vnsel vm11, $0x0, v25  }
0xec: {  	v27 =	vor.u32 v7, v27;
	v33 =	vmin.u32 v50, $0x13F;
	v61 =	vld.idx.msk [tilespmem:v26+s2+$0x0], $0xffff;
	v26 =	vand.u32 $0xC00, v59  }
0xed: {  	s17 =	simm.s32 $0x10;
	v53 =	vshll.u32 v33, $0x3;
	v33 =	vand.u32 $0x7F, v33;
	v26 =	vadd.s32 v6, v26  }
0xee: {  	v49 =	vnsel vm10, $0x0, v28;
	v28 =	vadd.s32 s17, v24;
	vm10 =	vgt.s32 v31, $0x0  }
0xef: {  	v36 =	vand.u32 $0xC00, v53;
	v26 =	vor.u32 v63, v26;
	vm11 =	vgt.s32 v28, $0x0  }
0xf0: {  	v51 =	vnsel vm10, $0x0, v31;
	v36 =	vadd.s32 v6, v36;
	v52 =	vnsel vm11, $0x0, v28  }
0xf1: {  	vm9 =	vlt.u32 v28, $0x140;
	v26 =	vor.u32 v7, v26;
	v35 =	vmin.u32 v52, $0x13F  }
0xf2: {  	v34 =	vmin.u32 v51, $0x13F;
	v33 =	vor.u32 v33, v36;
	v55 =	vshll.u32 v35, $0x3  }
0xf3: {  	v58 =	vld.idx.msk [tilespmem:v29+s2+$0x0], $0xffff;
	v57 =	vshll.u32 v34, $0x3;
	v33 =	vor.u32 v7, v33;
	v56 =	vand.u32 $0xC00, v55  }
0xf4: {  	v27 =	vld.idx.msk [tilespmem:v27+s2+$0x0], $0xffff;
	v35 =	vand.u32 $0x7F, v35;
	v60 =	vand.u32 $0xC00, v57;
	v36 =	vadd.s32 v6, v56  }
0xf5: {  	v34 =	vand.u32 $0x7F, v34;
	v62 =	vadd.s32 v6, v60;
	v29 =	vor.u32 v35, v36  }
0xf6: {  	s1 =	simm.s32 $0x20;
	vm10 =	vlt.u32 v30, $0x140;
	v34 =	vor.u32 v34, v62;
	v29 =	vor.u32 v7, v29  }
0xf7: {  	s31 =	simm.s32 $0x4;
	s16 =	simm.s32 $0x0;
	s0 =	sand.u32 $0x7E0, s1;
	vm11 =	vmand vm3, vm9;
	vm9 =	vlt.u32 v31, $0x140;
	v28 =	vor.u32 v7, v34  }
0xf8: {  	s29 =	simm.s32 $0x30;
	s16 =	sand.u32 $0x7C0, s16;
	s17 =	simm.s32 $0x10;
	[tilespmem:s0+$0x3300] =	vst v49;
	vm10 =	vmand vm3, vm10;
	v31 =	vnsel vm8, $0x0, v58;
	vm9 =	vmand vm3, vm9;
	v30 =	vld.idx.msk [tilespmem:v33+s2+$0x0], $0xffff  }
0xf9: {  	s30 =	sand.u32 $0x7F0, s29;
	s1 =	sand.u32 $0x7D0, s17;
	s0 =	simm.s32 $0x2C;
	[tilespmem:s16+$0x3300] =	vst v31;
	v31 =	vnsel vm6, $0x0, v61;
	vm6 =	vmmov vm11;
	v27 =	vnsel vm7, $0x0, v27  }
.LBB2_8:
0xfa: {  	v32 =	vadd.s32 s0, v24  }
0xfb: {  	s16 =	sadd.s32 $0xFFFFFFFC, s0;
	s31 =	sadd.s32 $0x4, s31;
	v33 =	vld.idx.msk [tilespmem:v29+s2+$0x0], $0xffff;
	vm11 =	vlt.u32 v25, $0x140;
	[tilespmem:s1+$0x3300] =	vst v31;
	s29 =	sadd.s32 $0x40, s29;
	vm7 =	vmmov vm9;
	vm8 =	vmmov vm10  }
0xfc: {  	s1 =	sadd.s32 $0xFFFFFFF8, s0;
	v25 =	vadd.s32 s16, v24;
	vm9 =	vgt.s32 v32, $0x0;
	p0 =	slt.u32 s31, $0x4C;
	v31 =	vld.idx.msk [tilespmem:v28+s2+$0x0], $0xffff;
	vm10 =	vmand vm3, vm11;
	s16 =	sadd.s32 $0xFFFFFFF0, s29;
	[tilespmem:s30+$0x3300] =	vst v27  }
0xfd: {  	s17 =	sadd.s32 $0xFFFFFFF4, s0;
	v27 =	vadd.s32 s1, v24;
	s1 =	sadd.s32 $0xFFFFFFD0, s29;
	vm11 =	vgt.s32 v25, $0x0;
	v28 =	vnsel vm10, $0x0, v30;
	s16 =	sand.u32 $0x7E0, s16;
	v34 =	vld.idx.msk [tilespmem:v26+s2+$0x0], $0xffff  }
0xfe: {  	s30 =	sand.u32 $0x7F0, s29;
	v26 =	vadd.s32 s17, v24;
	vm10 =	vgt.s32 v27, $0x0;
	s17 =	sand.u32 $0x7C0, s1;
	s1 =	sadd.s32 $0xFFFFFFE0, s29;
	v29 =	vnsel vm11, $0x0, v25;
	[tilespmem:s16+$0x3300] =	vst v28  }
0xff: {  	vm11 =	vgt.s32 v26, $0x0;
	v28 =	vnsel vm10, $0x0, v27;
	s1 =	sand.u32 $0x7D0, s1;
	v29 =	vmin.u32 v29, $0x13F  }
0x100: {  	v36 =	vnsel vm9, $0x0, v32;
	v30 =	vnsel vm11, $0x0, v26;
	v35 =	vshll.u32 v29, $0x3  }
0x101: {  	v28 =	vmin.u32 v28, $0x13F;
	v30 =	vmin.u32 v30, $0x13F;
	v35 =	vand.u32 $0xC00, v35  }
0x102: {  	v36 =	vmin.u32 v36, $0x13F;
	v29 =	vand.u32 $0x7F, v29;
	v35 =	vadd.s32 v6, v35  }
0x103: {  	v38 =	vshll.u32 v28, $0x3;
	v37 =	vshll.u32 v30, $0x3;
	v29 =	vor.u32 v29, v35  }
0x104: {  	v35 =	vand.u32 $0xC00, v37;
	v37 =	vor.u32 v7, v29;
	v29 =	vshll.u32 v36, $0x3  }
0x105: {  	v38 =	vand.u32 $0xC00, v38;
	v35 =	vadd.s32 v6, v35;
	v29 =	vand.u32 $0xC00, v29  }
0x106: {  	v30 =	vand.u32 $0x7F, v30;
	v38 =	vadd.s32 v6, v38;
	v39 =	vadd.s32 v6, v29  }
0x107: {  	v28 =	vand.u32 $0x7F, v28;
	v29 =	vor.u32 v30, v35;
	v30 =	vand.u32 $0x7F, v36  }
.Ltmp3:
0x108: {  	v28 =	vor.u32 v28, v38;
	v29 =	vor.u32 v7, v29;
	v35 =	vor.u32 v30, v39;
	(pc) =	sbr.rel @p0 .LBB2_8-.Ltmp3, $4  }
0x109: {  	vm9 =	vlt.u32 v26, $0x140;
	v28 =	vor.u32 v7, v28;
	v26 =	vor.u32 v7, v35;
	v30 =	vld.idx.msk [tilespmem:v37+s2+$0x0], $0xffff  }
0x10a: {  	vm10 =	vlt.u32 v32, $0x140;
	vm11 =	vmand vm3, vm9;
	vm9 =	vlt.u32 v27, $0x140  }
0x10b: {  	vm10 =	vmand vm3, vm10;
	vm9 =	vmand vm3, vm9;
	v27 =	vnsel vm6, $0x0, v33  }
0x10c: {  	s0 =	sadd.s32 $0x10, s0;
	vm6 =	vmmov vm11;
	v31 =	vnsel vm7, $0x0, v31;
	[tilespmem:s17+$0x3300] =	vst v27;
	v27 =	vnsel vm8, $0x0, v34  }
0x10d: {  	_ =	sdelay $0x3  }
0x10e: {  	v29 =	vld.idx.msk [tilespmem:v29+s2+$0x0], $0xffff  }
0x10f: {  	v28 =	vld.idx.msk [tilespmem:v28+s2+$0x0], $0xffff;
	vm7 =	vlt.u32 v25, $0x140;
	vm8 =	vmmov vm9;
	s16 =	simm.s32 $0x8  }
0x110: {  	v26 =	vld.idx.msk [tilespmem:v26+s2+$0x0], $0xffff;
	vm9 =	vmmov vm10;
	s0 =	simm.s32 $0xC;
	s17 =	simm.s32 $0x0;
	vm7 =	vmand vm3, vm7;
	v32 =	vadd.s32 s16, v24  }
0x111: {  	v34 =	vadd.s32 s17, v24;
	v25 =	vnsel vm7, $0x0, v30;
	v30 =	vadd.s32 s0, v24;
	s0 =	simm.s32 $0x4  }
0x112: {  	vm7 =	vgt.s32 v32, $0x0;
	vm10 =	vlt.u32 v32, $0x140;
	v33 =	vadd.s32 s0, v24  }
0x113: {  	v35 =	vnsel vm7, $0x0, v32;
	vm7 =	vgt.s32 v34, $0x0;
	vm10 =	vmand vm4, vm10  }
0x114: {  	v35 =	vmin.u32 v35, $0x13F;
	v37 =	vnsel vm7, $0x0, v34;
	vm7 =	vlt.u32 v33, $0x140  }
0x115: {  	v29 =	vnsel vm6, $0x0, v29;
	v28 =	vnsel vm8, $0x0, v28;
	v26 =	vnsel vm9, $0x0, v26  }
0x116: {  	vm6 =	vgt.s32 v30, $0x0;
	vm8 =	vgt.s32 v33, $0x0;
	v38 =	vshll.u32 v35, $0x3  }
0x117: {  	v37 =	vmin.u32 v37, $0x13F;
	v35 =	vand.u32 $0x7F, v35;
	vm7 =	vmand vm4, vm7  }
0x118: {  	s0 =	sadd.s32 $0x40, s29;
	v36 =	vnsel vm8, $0x0, v33;
	v39 =	vnsel vm6, $0x0, v30;
	v38 =	vand.u32 $0xC00, v38  }
0x119: {  	[tilespmem:s1+$0x3300] =	vst v31;
	s16 =	sadd.s32 $0xFFFFFFF0, s0;
	s17 =	sadd.s32 $0xFFFFFFD0, s0;
	v47 =	vshll.u32 v37, $0x3;
	vm6 =	vlt.u32 v34, $0x140;
	vm8 =	vlt.u32 v30, $0x140  }
0x11a: {  	[tilespmem:s30+$0x3300] =	vst v27;
	s1 =	sand.u32 $0x7E0, s16;
	s16 =	sand.u32 $0x7C0, s17;
	s17 =	sadd.s32 $0xFFFFFFE0, s0;
	v36 =	vmin.u32 v36, $0x13F;
	v31 =	vadd.s32 v9, v38;
	v46 =	vmin.u32 v39, $0x13F  }
0x11b: {  	[tilespmem:s1+$0x3300] =	vst v25;
	s17 =	sand.u32 $0x7D0, s17;
	v48 =	vand.u32 $0xC00, v47;
	vm6 =	vmand vm4, vm6;
	vm9 =	vmand vm4, vm8  }
0x11c: {  	s0 =	sand.u32 $0x7F0, s0;
	[tilespmem:s17+$0x3300] =	vst v28;
	s17 =	simm.s32 $0x1C;
	v27 =	vor.u32 v35, v31;
	v31 =	vshll.u32 v36, $0x3;
	v35 =	vadd.s32 v9, v48  }
0x11d: {  	[tilespmem:s0+$0x3300] =	vst v26;
	v26 =	vand.u32 $0x7F, v36;
	vm8 =	vmmov vm6;
	v30 =	vadd.s32 s17, v24  }
0x11e: {  	[tilespmem:s16+$0x3300] =	vst v29;
	vm6 =	vmmov vm7;
	v25 =	vor.u32 v10, v27;
	v29 =	vand.u32 $0xC00, v31  }
0x11f: {  	vm7 =	vmmov vm9;
	v27 =	vshll.u32 v46, $0x3;
	v28 =	vadd.s32 v9, v29  }
0x120: {  	v31 =	vand.u32 $0x7F, v37;
	vm9 =	vgt.s32 v30, $0x0;
	v26 =	vor.u32 v26, v28  }
0x121: {  	s1 =	simm.s32 $0x18;
	v27 =	vand.u32 $0xC00, v27;
	v29 =	vor.u32 v31, v35;
	v26 =	vor.u32 v10, v26  }
0x122: {  	[hbm4b:s5+s2] =	stream.linear.scatter [tilespmem:s19], [sflag:$0x1], $0x500, $0x38;
	v31 =	vand.u32 $0x7F, v46;
	v54 =	vnsel vm9, $0x0, v30;
	v27 =	vadd.s32 v9, v27;
	[tilespmem:$0x5600] =	vst v63  }
0x123: {  	s16 =	simm.s32 $0x14;
	v29 =	vor.u32 v10, v29;
	v37 =	vmin.u32 v54, $0x13F;
	v28 =	vld.idx.msk [tilespmem:v25+s2+$0x0], $0xffff;
	v25 =	vadd.s32 s1, v24  }
0x124: {  	v27 =	vor.u32 v31, v27;
	v31 =	vadd.s32 s16, v24;
	vm11 =	vgt.s32 v25, $0x0  }
0x125: {  	v59 =	vshll.u32 v37, $0x3;
	v63 =	vand.u32 $0x7F, v37;
	v50 =	vnsel vm11, $0x0, v25  }
0x126: {  	v27 =	vor.u32 v10, v27;
	v33 =	vmin.u32 v50, $0x13F;
	v61 =	vld.idx.msk [tilespmem:v26+s2+$0x0], $0xffff;
	v26 =	vand.u32 $0xC00, v59  }
0x127: {  	s17 =	simm.s32 $0x10;
	v53 =	vshll.u32 v33, $0x3;
	v33 =	vand.u32 $0x7F, v33;
	v26 =	vadd.s32 v9, v26  }
0x128: {  	v49 =	vnsel vm10, $0x0, v28;
	v28 =	vadd.s32 s17, v24;
	vm10 =	vgt.s32 v31, $0x0  }
0x129: {  	v36 =	vand.u32 $0xC00, v53;
	v26 =	vor.u32 v63, v26;
	vm11 =	vgt.s32 v28, $0x0  }
0x12a: {  	v51 =	vnsel vm10, $0x0, v31;
	v36 =	vadd.s32 v9, v36;
	v52 =	vnsel vm11, $0x0, v28  }
0x12b: {  	vm9 =	vlt.u32 v28, $0x140;
	v26 =	vor.u32 v10, v26;
	v35 =	vmin.u32 v52, $0x13F  }
0x12c: {  	v34 =	vmin.u32 v51, $0x13F;
	v33 =	vor.u32 v33, v36;
	v55 =	vshll.u32 v35, $0x3  }
0x12d: {  	v58 =	vld.idx.msk [tilespmem:v29+s2+$0x0], $0xffff;
	v57 =	vshll.u32 v34, $0x3;
	v33 =	vor.u32 v10, v33;
	v56 =	vand.u32 $0xC00, v55  }
0x12e: {  	v27 =	vld.idx.msk [tilespmem:v27+s2+$0x0], $0xffff;
	v35 =	vand.u32 $0x7F, v35;
	v60 =	vand.u32 $0xC00, v57;
	v36 =	vadd.s32 v9, v56  }
0x12f: {  	v34 =	vand.u32 $0x7F, v34;
	v62 =	vadd.s32 v9, v60;
	v29 =	vor.u32 v35, v36  }
0x130: {  	s1 =	simm.s32 $0x20;
	vm10 =	vlt.u32 v30, $0x140;
	v34 =	vor.u32 v34, v62;
	v29 =	vor.u32 v10, v29  }
0x131: {  	s31 =	simm.s32 $0x4;
	s16 =	simm.s32 $0x0;
	s0 =	sand.u32 $0x7E0, s1;
	vm11 =	vmand vm4, vm9;
	vm9 =	vlt.u32 v31, $0x140;
	v28 =	vor.u32 v10, v34  }
0x132: {  	s29 =	simm.s32 $0x30;
	s16 =	sand.u32 $0x7C0, s16;
	s17 =	simm.s32 $0x10;
	[tilespmem:s0+$0x3800] =	vst v49;
	vm10 =	vmand vm4, vm10;
	v31 =	vnsel vm8, $0x0, v58;
	vm9 =	vmand vm4, vm9;
	v30 =	vld.idx.msk [tilespmem:v33+s2+$0x0], $0xffff  }
0x133: {  	s30 =	sand.u32 $0x7F0, s29;
	s1 =	sand.u32 $0x7D0, s17;
	s0 =	simm.s32 $0x2C;
	[tilespmem:s16+$0x3800] =	vst v31;
	v31 =	vnsel vm6, $0x0, v61;
	vm6 =	vmmov vm11;
	v27 =	vnsel vm7, $0x0, v27  }
.LBB2_10:
0x134: {  	v32 =	vadd.s32 s0, v24  }
0x135: {  	s16 =	sadd.s32 $0xFFFFFFFC, s0;
	s31 =	sadd.s32 $0x4, s31;
	v33 =	vld.idx.msk [tilespmem:v29+s2+$0x0], $0xffff;
	vm11 =	vlt.u32 v25, $0x140;
	[tilespmem:s1+$0x3800] =	vst v31;
	s29 =	sadd.s32 $0x40, s29;
	vm7 =	vmmov vm9;
	vm8 =	vmmov vm10  }
0x136: {  	s1 =	sadd.s32 $0xFFFFFFF8, s0;
	v25 =	vadd.s32 s16, v24;
	vm9 =	vgt.s32 v32, $0x0;
	p0 =	slt.u32 s31, $0x4C;
	v31 =	vld.idx.msk [tilespmem:v28+s2+$0x0], $0xffff;
	vm10 =	vmand vm4, vm11;
	s16 =	sadd.s32 $0xFFFFFFF0, s29;
	[tilespmem:s30+$0x3800] =	vst v27  }
0x137: {  	s17 =	sadd.s32 $0xFFFFFFF4, s0;
	v27 =	vadd.s32 s1, v24;
	s1 =	sadd.s32 $0xFFFFFFD0, s29;
	vm11 =	vgt.s32 v25, $0x0;
	v28 =	vnsel vm10, $0x0, v30;
	s16 =	sand.u32 $0x7E0, s16;
	v34 =	vld.idx.msk [tilespmem:v26+s2+$0x0], $0xffff  }
0x138: {  	s30 =	sand.u32 $0x7F0, s29;
	v26 =	vadd.s32 s17, v24;
	vm10 =	vgt.s32 v27, $0x0;
	s17 =	sand.u32 $0x7C0, s1;
	s1 =	sadd.s32 $0xFFFFFFE0, s29;
	v29 =	vnsel vm11, $0x0, v25;
	[tilespmem:s16+$0x3800] =	vst v28  }
0x139: {  	vm11 =	vgt.s32 v26, $0x0;
	v28 =	vnsel vm10, $0x0, v27;
	s1 =	sand.u32 $0x7D0, s1;
	v29 =	vmin.u32 v29, $0x13F  }
0x13a: {  	v36 =	vnsel vm9, $0x0, v32;
	v30 =	vnsel vm11, $0x0, v26;
	v35 =	vshll.u32 v29, $0x3  }
0x13b: {  	v28 =	vmin.u32 v28, $0x13F;
	v30 =	vmin.u32 v30, $0x13F;
	v35 =	vand.u32 $0xC00, v35  }
0x13c: {  	v36 =	vmin.u32 v36, $0x13F;
	v29 =	vand.u32 $0x7F, v29;
	v35 =	vadd.s32 v9, v35  }
0x13d: {  	v38 =	vshll.u32 v28, $0x3;
	v37 =	vshll.u32 v30, $0x3;
	v29 =	vor.u32 v29, v35  }
0x13e: {  	v35 =	vand.u32 $0xC00, v37;
	v37 =	vor.u32 v10, v29;
	v29 =	vshll.u32 v36, $0x3  }
0x13f: {  	v38 =	vand.u32 $0xC00, v38;
	v35 =	vadd.s32 v9, v35;
	v29 =	vand.u32 $0xC00, v29  }
0x140: {  	v30 =	vand.u32 $0x7F, v30;
	v38 =	vadd.s32 v9, v38;
	v39 =	vadd.s32 v9, v29  }
0x141: {  	v28 =	vand.u32 $0x7F, v28;
	v29 =	vor.u32 v30, v35;
	v30 =	vand.u32 $0x7F, v36  }
.Ltmp4:
0x142: {  	v28 =	vor.u32 v28, v38;
	v29 =	vor.u32 v10, v29;
	v35 =	vor.u32 v30, v39;
	(pc) =	sbr.rel @p0 .LBB2_10-.Ltmp4, $4  }
0x143: {  	vm9 =	vlt.u32 v26, $0x140;
	v28 =	vor.u32 v10, v28;
	v26 =	vor.u32 v10, v35;
	v30 =	vld.idx.msk [tilespmem:v37+s2+$0x0], $0xffff  }
0x144: {  	vm10 =	vlt.u32 v32, $0x140;
	vm11 =	vmand vm4, vm9;
	vm9 =	vlt.u32 v27, $0x140  }
0x145: {  	vm10 =	vmand vm4, vm10;
	vm9 =	vmand vm4, vm9;
	v27 =	vnsel vm6, $0x0, v33  }
0x146: {  	s0 =	sadd.s32 $0x10, s0;
	vm6 =	vmmov vm11;
	v31 =	vnsel vm7, $0x0, v31;
	[tilespmem:s17+$0x3800] =	vst v27;
	v27 =	vnsel vm8, $0x0, v34  }
0x147: {  	_ =	sdelay $0x3  }
0x148: {  	v29 =	vld.idx.msk [tilespmem:v29+s2+$0x0], $0xffff  }
0x149: {  	v28 =	vld.idx.msk [tilespmem:v28+s2+$0x0], $0xffff;
	vm7 =	vlt.u32 v25, $0x140;
	vm8 =	vmmov vm9;
	s16 =	simm.s32 $0x8  }
0x14a: {  	v26 =	vld.idx.msk [tilespmem:v26+s2+$0x0], $0xffff;
	vm9 =	vmmov vm10;
	s0 =	simm.s32 $0xC;
	s17 =	simm.s32 $0x0;
	vm7 =	vmand vm4, vm7;
	v32 =	vadd.s32 s16, v24  }
0x14b: {  	v34 =	vadd.s32 s17, v24;
	v25 =	vnsel vm7, $0x0, v30;
	v30 =	vadd.s32 s0, v24;
	s0 =	simm.s32 $0x4  }
0x14c: {  	vm7 =	vgt.s32 v32, $0x0;
	vm10 =	vlt.u32 v32, $0x140;
	v33 =	vadd.s32 s0, v24  }
0x14d: {  	v35 =	vnsel vm7, $0x0, v32;
	vm7 =	vgt.s32 v34, $0x0;
	vm10 =	vmand vm5, vm10  }
0x14e: {  	v35 =	vmin.u32 v35, $0x13F;
	v37 =	vnsel vm7, $0x0, v34;
	vm7 =	vlt.u32 v33, $0x140  }
0x14f: {  	v29 =	vnsel vm6, $0x0, v29;
	v28 =	vnsel vm8, $0x0, v28;
	v26 =	vnsel vm9, $0x0, v26  }
0x150: {  	vm6 =	vgt.s32 v30, $0x0;
	vm8 =	vgt.s32 v33, $0x0;
	v38 =	vshll.u32 v35, $0x3  }
0x151: {  	v37 =	vmin.u32 v37, $0x13F;
	v35 =	vand.u32 $0x7F, v35;
	vm7 =	vmand vm5, vm7  }
0x152: {  	s0 =	sadd.s32 $0x40, s29;
	v36 =	vnsel vm8, $0x0, v33;
	v39 =	vnsel vm6, $0x0, v30;
	v38 =	vand.u32 $0xC00, v38  }
0x153: {  	s16 =	sadd.s32 $0xFFFFFFF0, s0;
	s17 =	sadd.s32 $0xFFFFFFD0, s0;
	v47 =	vshll.u32 v37, $0x3;
	vm6 =	vlt.u32 v34, $0x140;
	vm8 =	vlt.u32 v30, $0x140  }
0x154: {  	[tilespmem:s1+$0x3800] =	vst v31;
	s1 =	sand.u32 $0x7E0, s16;
	s16 =	sand.u32 $0x7C0, s17;
	s17 =	sadd.s32 $0xFFFFFFE0, s0;
	v36 =	vmin.u32 v36, $0x13F;
	v31 =	vadd.s32 v11, v38;
	v46 =	vmin.u32 v39, $0x13F  }
0x155: {  	[tilespmem:s30+$0x3800] =	vst v27;
	s17 =	sand.u32 $0x7D0, s17;
	v48 =	vand.u32 $0xC00, v47;
	vm6 =	vmand vm5, vm6;
	vm9 =	vmand vm5, vm8  }
0x156: {  	s0 =	sand.u32 $0x7F0, s0;
	[tilespmem:s17+$0x3800] =	vst v28;
	s17 =	simm.s32 $0x1C;
	v27 =	vor.u32 v35, v31;
	v31 =	vshll.u32 v36, $0x3;
	v35 =	vadd.s32 v11, v48  }
0x157: {  	[tilespmem:s0+$0x3800] =	vst v26;
	v26 =	vand.u32 $0x7F, v36;
	vm8 =	vmmov vm6;
	v30 =	vadd.s32 s17, v24  }
0x158: {  	[tilespmem:s1+$0x3800] =	vst v25;
	vm6 =	vmmov vm7;
	vm7 =	vmmov vm9;
	v25 =	vor.u32 v13, v27  }
0x159: {  	[tilespmem:s16+$0x3800] =	vst v29;
	v27 =	vshll.u32 v46, $0x3;
	v29 =	vand.u32 $0xC00, v31;
	v31 =	vand.u32 $0x7F, v37  }
0x15a: {  	vm9 =	vgt.s32 v30, $0x0;
	vm12 =	vlt.u32 v30, $0x140;
	v28 =	vadd.s32 v11, v29  }
0x15b: {  	s1 =	simm.s32 $0x18;
	v27 =	vand.u32 $0xC00, v27;
	v29 =	vor.u32 v31, v35;
	v26 =	vor.u32 v26, v28  }
0x15c: {  	[hbm4b:s6+s2] =	stream.linear.scatter [tilespmem:s20], [sflag:$0x1], $0x500, $0x38;
	v31 =	vand.u32 $0x7F, v46;
	v54 =	vnsel vm9, $0x0, v30;
	v26 =	vor.u32 v13, v26;
	[tilespmem:$0x5600] =	vst v63  }
0x15d: {  	v27 =	vadd.s32 v11, v27;
	v29 =	vor.u32 v13, v29;
	v28 =	vld.idx.msk [tilespmem:v25+s2+$0x0], $0xffff;
	v25 =	vadd.s32 s1, v24  }
0x15e: {  	s16 =	simm.s32 $0x14;
	v37 =	vmin.u32 v54, $0x13F;
	v27 =	vor.u32 v31, v27;
	vm11 =	vgt.s32 v25, $0x0  }
0x15f: {  	v31 =	vadd.s32 s16, v24;
	v59 =	vshll.u32 v37, $0x3;
	v50 =	vnsel vm11, $0x0, v25  }
0x160: {  	v63 =	vand.u32 $0x7F, v37;
	v27 =	vor.u32 v13, v27;
	v33 =	vmin.u32 v50, $0x13F  }
0x161: {  	s17 =	simm.s32 $0x10;
	v61 =	vld.idx.msk [tilespmem:v26+s2+$0x0], $0xffff;
	v26 =	vand.u32 $0xC00, v59;
	v53 =	vshll.u32 v33, $0x3;
	v33 =	vand.u32 $0x7F, v33  }
0x162: {  	v26 =	vadd.s32 v11, v26;
	v49 =	vnsel vm10, $0x0, v28;
	v28 =	vadd.s32 s17, v24  }
0x163: {  	vm10 =	vgt.s32 v31, $0x0;
	v36 =	vand.u32 $0xC00, v53;
	vm11 =	vgt.s32 v28, $0x0  }
0x164: {  	v26 =	vor.u32 v63, v26;
	v51 =	vnsel vm10, $0x0, v31;
	v52 =	vnsel vm11, $0x0, v28  }
0x165: {  	v36 =	vadd.s32 v11, v36;
	vm9 =	vlt.u32 v28, $0x140;
	v35 =	vmin.u32 v52, $0x13F  }
0x166: {  	v34 =	vmin.u32 v51, $0x13F;
	v33 =	vor.u32 v33, v36;
	v55 =	vshll.u32 v35, $0x3  }
0x167: {  	v58 =	vld.idx.msk [tilespmem:v29+s2+$0x0], $0xffff;
	v57 =	vshll.u32 v34, $0x3;
	v33 =	vor.u32 v13, v33;
	v56 =	vand.u32 $0xC00, v55  }
0x168: {  	v27 =	vld.idx.msk [tilespmem:v27+s2+$0x0], $0xffff;
	v35 =	vand.u32 $0x7F, v35;
	v60 =	vand.u32 $0xC00, v57;
	v36 =	vadd.s32 v11, v56  }
0x169: {  	v34 =	vand.u32 $0x7F, v34;
	v62 =	vadd.s32 v11, v60;
	v29 =	vor.u32 v35, v36  }
0x16a: {  	s1 =	simm.s32 $0x20;
	v26 =	vor.u32 v13, v26;
	v34 =	vor.u32 v34, v62;
	v29 =	vor.u32 v13, v29  }
0x16b: {  	s31 =	simm.s32 $0x4;
	s16 =	simm.s32 $0x0;
	s0 =	sand.u32 $0x7E0, s1;
	vm11 =	vmand vm5, vm9;
	vm9 =	vlt.u32 v31, $0x140;
	v28 =	vor.u32 v13, v34  }
0x16c: {  	s29 =	simm.s32 $0x30;
	s16 =	sand.u32 $0x7C0, s16;
	s17 =	simm.s32 $0x10;
	[tilespmem:s0+$0x3D00] =	vst v49;
	v31 =	vnsel vm8, $0x0, v58;
	vm10 =	vmand vm5, vm9;
	vm9 =	vmand vm5, vm12;
	v30 =	vld.idx.msk [tilespmem:v33+s2+$0x0], $0xffff  }
0x16d: {  	s30 =	sand.u32 $0x7F0, s29;
	s1 =	sand.u32 $0x7D0, s17;
	s0 =	simm.s32 $0x2C;
	[tilespmem:s16+$0x3D00] =	vst v31;
	v31 =	vnsel vm6, $0x0, v61;
	vm6 =	vmmov vm11;
	v27 =	vnsel vm7, $0x0, v27  }
.LBB2_12:
0x16e: {  	v32 =	vadd.s32 s0, v24  }
0x16f: {  	s16 =	sadd.s32 $0xFFFFFFFC, s0;
	s31 =	sadd.s32 $0x4, s31;
	v33 =	vld.idx.msk [tilespmem:v29+s2+$0x0], $0xffff;
	vm11 =	vlt.u32 v25, $0x140;
	[tilespmem:s1+$0x3D00] =	vst v31;
	s29 =	sadd.s32 $0x40, s29;
	vm7 =	vmmov vm10;
	vm8 =	vmmov vm9  }
0x170: {  	s1 =	sadd.s32 $0xFFFFFFF8, s0;
	v25 =	vadd.s32 s16, v24;
	vm9 =	vgt.s32 v32, $0x0;
	p0 =	slt.u32 s31, $0x4C;
	v31 =	vld.idx.msk [tilespmem:v28+s2+$0x0], $0xffff;
	vm10 =	vmand vm5, vm11;
	s16 =	sadd.s32 $0xFFFFFFF0, s29;
	[tilespmem:s30+$0x3D00] =	vst v27  }
0x171: {  	s17 =	sadd.s32 $0xFFFFFFF4, s0;
	v27 =	vadd.s32 s1, v24;
	s1 =	sadd.s32 $0xFFFFFFD0, s29;
	vm11 =	vgt.s32 v25, $0x0;
	v28 =	vnsel vm10, $0x0, v30;
	s16 =	sand.u32 $0x7E0, s16;
	v34 =	vld.idx.msk [tilespmem:v26+s2+$0x0], $0xffff  }
0x172: {  	s30 =	sand.u32 $0x7F0, s29;
	v26 =	vadd.s32 s17, v24;
	vm10 =	vgt.s32 v27, $0x0;
	s17 =	sand.u32 $0x7C0, s1;
	s1 =	sadd.s32 $0xFFFFFFE0, s29;
	v29 =	vnsel vm11, $0x0, v25;
	[tilespmem:s16+$0x3D00] =	vst v28  }
0x173: {  	vm11 =	vgt.s32 v26, $0x0;
	v28 =	vnsel vm10, $0x0, v27;
	s1 =	sand.u32 $0x7D0, s1;
	v29 =	vmin.u32 v29, $0x13F  }
0x174: {  	v36 =	vnsel vm9, $0x0, v32;
	v30 =	vnsel vm11, $0x0, v26;
	v35 =	vshll.u32 v29, $0x3  }
0x175: {  	v28 =	vmin.u32 v28, $0x13F;
	v30 =	vmin.u32 v30, $0x13F;
	v35 =	vand.u32 $0xC00, v35  }
0x176: {  	v36 =	vmin.u32 v36, $0x13F;
	v29 =	vand.u32 $0x7F, v29;
	v35 =	vadd.s32 v11, v35  }
0x177: {  	v38 =	vshll.u32 v28, $0x3;
	v37 =	vshll.u32 v30, $0x3;
	v29 =	vor.u32 v29, v35  }
0x178: {  	v35 =	vand.u32 $0xC00, v37;
	v37 =	vor.u32 v13, v29;
	v29 =	vshll.u32 v36, $0x3  }
0x179: {  	v38 =	vand.u32 $0xC00, v38;
	v35 =	vadd.s32 v11, v35;
	v29 =	vand.u32 $0xC00, v29  }
0x17a: {  	v30 =	vand.u32 $0x7F, v30;
	v38 =	vadd.s32 v11, v38;
	v39 =	vadd.s32 v11, v29  }
0x17b: {  	v28 =	vand.u32 $0x7F, v28;
	v29 =	vor.u32 v30, v35;
	v30 =	vand.u32 $0x7F, v36  }
.Ltmp5:
0x17c: {  	v28 =	vor.u32 v28, v38;
	v29 =	vor.u32 v13, v29;
	v35 =	vor.u32 v30, v39;
	(pc) =	sbr.rel @p0 .LBB2_12-.Ltmp5, $4  }
0x17d: {  	vm9 =	vlt.u32 v26, $0x140;
	v28 =	vor.u32 v13, v28;
	v26 =	vor.u32 v13, v35;
	v30 =	vld.idx.msk [tilespmem:v37+s2+$0x0], $0xffff  }
0x17e: {  	vm12 =	vlt.u32 v32, $0x140;
	vm11 =	vmand vm5, vm9;
	vm9 =	vlt.u32 v27, $0x140  }
0x17f: {  	vm10 =	vmand vm5, vm9;
	vm9 =	vmand vm5, vm12;
	v27 =	vnsel vm6, $0x0, v33  }
0x180: {  	s0 =	sadd.s32 $0x10, s0;
	vm6 =	vmmov vm11;
	v31 =	vnsel vm7, $0x0, v31;
	[tilespmem:s17+$0x3D00] =	vst v27;
	v27 =	vnsel vm8, $0x0, v34  }
0x181: {  	_ =	sdelay $0x3  }
0x182: {  	v29 =	vld.idx.msk [tilespmem:v29+s2+$0x0], $0xffff  }
0x183: {  	v28 =	vld.idx.msk [tilespmem:v28+s2+$0x0], $0xffff;
	vm7 =	vlt.u32 v25, $0x140;
	vm8 =	vmmov vm10;
	vm9 =	vmmov vm9;
	s16 =	simm.s32 $0x8;
	s17 =	simm.s32 $0x4  }
0x184: {  	v26 =	vld.idx.msk [tilespmem:v26+s2+$0x0], $0xffff;
	vm7 =	vmand vm5, vm7;
	v32 =	vadd.s32 s16, v24;
	s16 =	simm.s32 $0x0;
	v34 =	vadd.s32 s17, v24  }
0x185: {  	s0 =	simm.s32 $0xC;
	v25 =	vnsel vm7, $0x0, v30;
	vm7 =	vgt.s32 v32, $0x0;
	v33 =	vadd.s32 s16, v24  }
0x186: {  	v30 =	vadd.s32 s0, v24;
	v35 =	vnsel vm7, $0x0, v32;
	vm7 =	vgt.s32 v33, $0x0  }
0x187: {  	vm10 =	vlt.u32 v32, $0x140;
	v35 =	vmin.u32 v35, $0x13F;
	v36 =	vnsel vm7, $0x0, v33  }
0x188: {  	vm7 =	vlt.u32 v34, $0x140;
	v29 =	vnsel vm6, $0x0, v29;
	v28 =	vnsel vm8, $0x0, v28  }
0x189: {  	v26 =	vnsel vm9, $0x0, v26;
	vm6 =	vgt.s32 v30, $0x0;
	vm8 =	vgt.s32 v34, $0x0  }
0x18a: {  	s0 =	sadd.s32 $0x40, s29;
	v38 =	vshll.u32 v35, $0x3;
	v36 =	vmin.u32 v36, $0x13F;
	v35 =	vand.u32 $0x7F, v35  }
0x18b: {  	s16 =	sadd.s32 $0xFFFFFFF0, s0;
	s17 =	sadd.s32 $0xFFFFFFD0, s0;
	vm7 =	vmmov vm7;
	v37 =	vnsel vm8, $0x0, v34;
	v39 =	vnsel vm6, $0x0, v30  }
0x18c: {  	[tilespmem:s1+$0x3D00] =	vst v31;
	s1 =	sand.u32 $0x7E0, s16;
	s16 =	sand.u32 $0x7C0, s17;
	s17 =	sadd.s32 $0xFFFFFFE0, s0;
	v38 =	vand.u32 $0xC00, v38;
	v47 =	vshll.u32 v36, $0x3;
	vm6 =	vlt.u32 v33, $0x140  }
0x18d: {  	[tilespmem:s30+$0x3D00] =	vst v27;
	s17 =	sand.u32 $0x7D0, s17;
	vm8 =	vlt.u32 v30, $0x140;
	v31 =	vmin.u32 v37, $0x13F;
	v46 =	vadd.s32 v14, v38  }
0x18e: {  	[tilespmem:s17+$0x3D00] =	vst v28;
	s17 =	simm.s32 $0x1C;
	v27 =	vmin.u32 v39, $0x13F;
	v48 =	vand.u32 $0xC00, v47;
	vm9 =	vmmov vm6  }
0x18f: {  	v30 =	vadd.s32 s17, v24;
	vm6 =	vlt.u32 v8, $0x140;
	v35 =	vor.u32 v35, v46  }
0x190: {  	[tilespmem:s1+$0x3D00] =	vst v25;
	vm8 =	vmmov vm8;
	v25 =	vshll.u32 v31, $0x3;
	v35 =	vor.u32 v16, v35  }
0x191: {  	s0 =	sand.u32 $0x7F0, s0;
	[tilespmem:s16+$0x3D00] =	vst v29;
	v29 =	vshll.u32 v27, $0x3;
	v37 =	vadd.s32 v14, v48;
	v27 =	vand.u32 $0x7F, v27  }
0x192: {  	[tilespmem:s0+$0x3D00] =	vst v26;
	vm11 =	vgt.s32 v30, $0x0;
	vm10 =	vmand vm6, vm10;
	v25 =	vand.u32 $0xC00, v25  }
0x193: {  	[hbm4b:s9+s2] =	stream.linear.scatter [tilespmem:s21], [sflag:$0x1], $0x500, $0x38;
	v28 =	vand.u32 $0xC00, v29;
	v29 =	vand.u32 $0x7F, v36;
	v25 =	vadd.s32 v14, v25;
	[tilespmem:$0x5600] =	vst v63  }
0x194: {  	s17 =	simm.s32 $0x14;
	v26 =	vadd.s32 v14, v28;
	v28 =	vor.u32 v29, v37;
	v29 =	vand.u32 $0x7F, v31  }
0x195: {  	v50 =	vadd.s32 s17, v24;
	vm9 =	vmand vm6, vm9;
	v25 =	vor.u32 v29, v25;
	v29 =	vld.idx.msk [tilespmem:v35+s2+$0x0], $0xffff  }
0x196: {  	s16 =	simm.s32 $0x10;
	vm7 =	vmand vm6, vm7;
	vm8 =	vmand vm6, vm8;
	v54 =	vnsel vm11, $0x0, v30  }
0x197: {  	s1 =	simm.s32 $0x18;
	vm11 =	vlt.u32 v50, $0x140;
	v31 =	vadd.s32 s16, v24;
	v37 =	vmin.u32 v54, $0x13F  }
0x198: {  	v26 =	vor.u32 v27, v26;
	v27 =	vor.u32 v16, v25;
	v25 =	vadd.s32 s1, v24  }
0x199: {  	v28 =	vor.u32 v16, v28;
	v59 =	vshll.u32 v37, $0x3;
	vm12 =	vgt.s32 v25, $0x0  }
0x19a: {  	v37 =	vand.u32 $0x7F, v37;
	v49 =	vnsel vm10, $0x0, v29;
	v29 =	vnsel vm12, $0x0, v25  }
0x19b: {  	v26 =	vor.u32 v16, v26;
	vm10 =	vgt.s32 v31, $0x0;
	v29 =	vmin.u32 v29, $0x13F  }
0x19c: {  	v51 =	vnsel vm10, $0x0, v31;
	vm10 =	vgt.s32 v50, $0x0;
	v53 =	vshll.u32 v29, $0x3  }
0x19d: {  	v52 =	vnsel vm10, $0x0, v50;
	v34 =	vmin.u32 v51, $0x13F;
	v36 =	vand.u32 $0xC00, v53  }
0x19e: {  	v29 =	vand.u32 $0x7F, v29;
	v35 =	vmin.u32 v52, $0x13F;
	v36 =	vadd.s32 v14, v36  }
0x19f: {  	v58 =	vld.idx.msk [tilespmem:v28+s2+$0x0], $0xffff;
	v55 =	vshll.u32 v34, $0x3;
	v34 =	vand.u32 $0x7F, v34;
	v29 =	vor.u32 v29, v36  }
0x1a0: {  	v27 =	vld.idx.msk [tilespmem:v27+s2+$0x0], $0xffff;
	v56 =	vand.u32 $0xC00, v55;
	v57 =	vshll.u32 v35, $0x3;
	v61 =	vor.u32 v16, v29  }
0x1a1: {  	v63 =	vld.idx.msk [tilespmem:v26+s2+$0x0], $0xffff;
	v35 =	vand.u32 $0x7F, v35;
	v36 =	vadd.s32 v14, v56;
	v60 =	vand.u32 $0xC00, v57  }
0x1a2: {  	v28 =	vor.u32 v34, v36;
	v29 =	vand.u32 $0xC00, v59;
	v62 =	vadd.s32 v14, v60  }
0x1a3: {  	s1 =	simm.s32 $0x20;
	v26 =	vadd.s32 v14, v29;
	v29 =	vor.u32 v16, v28;
	v28 =	vor.u32 v35, v62  }
0x1a4: {  	s31 =	simm.s32 $0x4;
	s16 =	simm.s32 $0x0;
	s0 =	sand.u32 $0x7E0, s1;
	vm12 =	vlt.u32 v31, $0x140;
	v26 =	vor.u32 v37, v26;
	v28 =	vor.u32 v16, v28  }
0x1a5: {  	s29 =	simm.s32 $0x30;
	s17 =	simm.s32 $0x10;
	s16 =	sand.u32 $0x7C0, s16;
	[tilespmem:s0+$0x4200] =	vst v49;
	vm10 =	vlt.u32 v30, $0x140;
	v31 =	vnsel vm9, $0x0, v58;
	v26 =	vor.u32 v16, v26;
	v30 =	vld.idx.msk [tilespmem:v61+s2+$0x0], $0xffff  }
0x1a6: {  	s30 =	sand.u32 $0x7F0, s29;
	s1 =	sand.u32 $0x7D0, s17;
	s0 =	simm.s32 $0x2C;
	[tilespmem:s16+$0x4200] =	vst v31;
	v31 =	vnsel vm7, $0x0, v27;
	v27 =	vnsel vm8, $0x0, v63;
	vm7 =	vmmov vm12  }
.LBB2_14:
0x1a7: {  	v32 =	vadd.s32 s0, v24  }
0x1a8: {  	s16 =	sadd.s32 $0xFFFFFFFC, s0;
	s31 =	sadd.s32 $0x4, s31;
	v33 =	vld.idx.msk [tilespmem:v29+s2+$0x0], $0xffff;
	vm12 =	vlt.u32 v25, $0x140;
	[tilespmem:s1+$0x4200] =	vst v31;
	s29 =	sadd.s32 $0x40, s29;
	vm8 =	vmmov vm11;
	vm9 =	vmmov vm10  }
0x1a9: {  	s1 =	sadd.s32 $0xFFFFFFF4, s0;
	v25 =	vadd.s32 s16, v24;
	vm10 =	vgt.s32 v32, $0x0;
	p0 =	slt.u32 s31, $0x4C;
	v31 =	vld.idx.msk [tilespmem:v28+s2+$0x0], $0xffff;
	vm11 =	vmand vm6, vm12;
	s16 =	sadd.s32 $0xFFFFFFF0, s29;
	[tilespmem:s30+$0x4200] =	vst v27  }
0x1aa: {  	v27 =	vadd.s32 s1, v24;
	s1 =	sadd.s32 $0xFFFFFFF8, s0;
	s17 =	sadd.s32 $0xFFFFFFD0, s29;
	vm12 =	vgt.s32 v25, $0x0;
	v28 =	vnsel vm11, $0x0, v30;
	s16 =	sand.u32 $0x7E0, s16;
	v34 =	vld.idx.msk [tilespmem:v26+s2+$0x0], $0xffff  }
0x1ab: {  	s30 =	sand.u32 $0x7F0, s29;
	vm11 =	vgt.s32 v27, $0x0;
	v35 =	vadd.s32 s1, v24;
	s17 =	sand.u32 $0x7C0, s17;
	s1 =	sadd.s32 $0xFFFFFFE0, s29;
	v26 =	vnsel vm12, $0x0, v25;
	[tilespmem:s16+$0x4200] =	vst v28  }
0x1ac: {  	v28 =	vnsel vm11, $0x0, v27;
	vm11 =	vgt.s32 v35, $0x0;
	s1 =	sand.u32 $0x7D0, s1;
	v26 =	vmin.u32 v26, $0x13F  }
0x1ad: {  	v36 =	vnsel vm10, $0x0, v32;
	v29 =	vnsel vm11, $0x0, v35;
	v30 =	vshll.u32 v26, $0x3  }
0x1ae: {  	v28 =	vmin.u32 v28, $0x13F;
	v29 =	vmin.u32 v29, $0x13F;
	v30 =	vand.u32 $0xC00, v30  }
0x1af: {  	v36 =	vmin.u32 v36, $0x13F;
	v26 =	vand.u32 $0x7F, v26;
	v30 =	vadd.s32 v14, v30  }
0x1b0: {  	v37 =	vshll.u32 v28, $0x3;
	v38 =	vshll.u32 v29, $0x3;
	v26 =	vor.u32 v26, v30  }
0x1b1: {  	v30 =	vand.u32 $0xC00, v37;
	v37 =	vshll.u32 v36, $0x3;
	v26 =	vor.u32 v16, v26  }
0x1b2: {  	v38 =	vand.u32 $0xC00, v38;
	v30 =	vadd.s32 v14, v30;
	v37 =	vand.u32 $0xC00, v37  }
0x1b3: {  	v28 =	vand.u32 $0x7F, v28;
	v38 =	vadd.s32 v14, v38;
	v37 =	vadd.s32 v14, v37  }
0x1b4: {  	v36 =	vand.u32 $0x7F, v36;
	v28 =	vor.u32 v28, v30;
	v30 =	vand.u32 $0x7F, v29  }
.Ltmp6:
0x1b5: {  	v29 =	vor.u32 v16, v28;
	v28 =	vor.u32 v30, v38;
	v36 =	vor.u32 v36, v37;
	(pc) =	sbr.rel @p0 .LBB2_14-.Ltmp6, $4  }
0x1b6: {  	vm12 =	vlt.u32 v27, $0x140;
	v28 =	vor.u32 v16, v28;
	v30 =	vld.idx.msk [tilespmem:v26+s2+$0x0], $0xffff;
	v26 =	vor.u32 v16, v36  }
0x1b7: {  	vm7 =	vmand vm6, vm7;
	vm10 =	vlt.u32 v32, $0x140;
	vm11 =	vlt.u32 v35, $0x140  }
0x1b8: {  	v27 =	vnsel vm7, $0x0, v33;
	vm7 =	vmand vm6, vm8;
	vm8 =	vmand vm6, vm9  }
0x1b9: {  	s0 =	sadd.s32 $0x10, s0;
	v31 =	vnsel vm7, $0x0, v31;
	vm7 =	vmmov vm12;
	[tilespmem:s17+$0x4200] =	vst v27;
	v27 =	vnsel vm8, $0x0, v34  }
0x1ba: {  	_ =	sdelay $0x3  }
0x1bb: {  	v29 =	vld.idx.msk [tilespmem:v29+s2+$0x0], $0xffff;
	vm8 =	vlt.u32 v25, $0x140;
	vm9 =	vmmov vm11;
	vm10 =	vmmov vm10;
	s17 =	simm.s32 $0x4  }
0x1bc: {  	v28 =	vld.idx.msk [tilespmem:v28+s2+$0x0], $0xffff;
	vm7 =	vmand vm6, vm7;
	s0 =	simm.s32 $0xC;
	vm8 =	vmand vm6, vm8;
	v34 =	vadd.s32 s17, v24  }
0x1bd: {  	v25 =	vld.idx.msk [tilespmem:v26+s2+$0x0], $0xffff;
	s16 =	simm.s32 $0x8;
	v26 =	vnsel vm8, $0x0, v30;
	v30 =	vadd.s32 s0, v24;
	vm8 =	vgt.s32 v34, $0x0  }
0x1be: {  	v32 =	vadd.s32 s16, v24;
	s16 =	simm.s32 $0x0;
	s0 =	sadd.s32 $0x40, s29;
	v37 =	vnsel vm8, $0x0, v34;
	vm8 =	vlt.u32 v30, $0x140  }
0x1bf: {  	[tilespmem:s1+$0x4200] =	vst v31;
	v33 =	vadd.s32 s16, v24;
	s16 =	sadd.s32 $0xFFFFFFF0, s0;
	v31 =	vmin.u32 v37, $0x13F;
	vm8 =	vmmov vm8  }
0x1c0: {  	s1 =	sand.u32 $0x7E0, s16;
	v29 =	vnsel vm7, $0x0, v29;
	vm7 =	vmand vm6, vm9;
	vm6 =	vmand vm6, vm10  }
0x1c1: {  	[tilespmem:s1+$0x4200] =	vst v26;
	v26 =	vshll.u32 v31, $0x3;
	vm10 =	vlt.u32 v32, $0x140;
	v28 =	vnsel vm7, $0x0, v28  }
0x1c2: {  	s17 =	sadd.s32 $0xFFFFFFD0, s0;
	v25 =	vnsel vm6, $0x0, v25;
	vm6 =	vgt.s32 v30, $0x0;
	vm7 =	vgt.s32 v32, $0x0  }
0x1c3: {  	s16 =	sand.u32 $0x7C0, s17;
	s17 =	sadd.s32 $0xFFFFFFE0, s0;
	v26 =	vand.u32 $0xC00, v26;
	v35 =	vnsel vm7, $0x0, v32;
	vm7 =	vgt.s32 v33, $0x0  }
0x1c4: {  	[tilespmem:s30+$0x4200] =	vst v27;
	s17 =	sand.u32 $0x7D0, s17;
	v39 =	vnsel vm6, $0x0, v30;
	v26 =	vadd.s32 v18, v26;
	vm6 =	vlt.u32 v33, $0x140  }
0x1c5: {  	[tilespmem:s17+$0x4200] =	vst v28;
	s17 =	simm.s32 $0x1C;
	v35 =	vmin.u32 v35, $0x13F;
	v36 =	vnsel vm7, $0x0, v33;
	v27 =	vmin.u32 v39, $0x13F  }
0x1c6: {  	vm7 =	vlt.u32 v34, $0x140;
	vm9 =	vmmov vm6;
	v30 =	vadd.s32 s17, v24  }
0x1c7: {  	vm6 =	vlt.u32 v12, $0x140;
	v38 =	vshll.u32 v35, $0x3;
	v36 =	vmin.u32 v36, $0x13F  }
0x1c8: {  	[tilespmem:s16+$0x4200] =	vst v29;
	v35 =	vand.u32 $0x7F, v35;
	v29 =	vshll.u32 v27, $0x3;
	v38 =	vand.u32 $0xC00, v38  }
0x1c9: {  	v27 =	vand.u32 $0x7F, v27;
	vm7 =	vmmov vm7;
	v46 =	vadd.s32 v18, v38  }
0x1ca: {  	s17 =	simm.s32 $0x14;
	vm11 =	vgt.s32 v30, $0x0;
	vm10 =	vmand vm6, vm10;
	v35 =	vor.u32 v35, v46  }
0x1cb: {  	v49 =	vadd.s32 s17, v24;
	vm9 =	vmand vm6, vm9;
	v35 =	vor.u32 v19, v35  }
0x1cc: {  	vm8 =	vmand vm6, vm8;
	v47 =	vshll.u32 v36, $0x3;
	v28 =	vand.u32 $0xC00, v29  }
0x1cd: {  	s0 =	sand.u32 $0x7F0, s0;
	v29 =	vand.u32 $0x7F, v36;
	v54 =	vnsel vm11, $0x0, v30;
	v48 =	vand.u32 $0xC00, v47  }
0x1ce: {  	s1 =	simm.s32 $0x18;
	[tilespmem:s0+$0x4200] =	vst v25;
	vm11 =	vlt.u32 v49, $0x140;
	v25 =	vadd.s32 v18, v28;
	v37 =	vadd.s32 v18, v48  }
0x1cf: {  	[hbm4b:s10+s2] =	stream.linear.scatter [tilespmem:s22], [sflag:$0x1], $0x500, $0x38;
	v25 =	vor.u32 v27, v25;
	v28 =	vor.u32 v29, v37;
	v29 =	vand.u32 $0x7F, v31;
	[tilespmem:$0x5600] =	vst v63  }
0x1d0: {  	s16 =	simm.s32 $0x10;
	v26 =	vor.u32 v29, v26;
	v29 =	vor.u32 v19, v25;
	v25 =	vadd.s32 s1, v24;
	v27 =	vld.idx.msk [tilespmem:v35+s2+$0x0], $0xffff  }
0x1d1: {  	vm7 =	vmand vm6, vm7;
	v31 =	vadd.s32 s16, v24;
	vm12 =	vgt.s32 v25, $0x0  }
0x1d2: {  	v37 =	vmin.u32 v54, $0x13F;
	v26 =	vor.u32 v19, v26;
	v50 =	vnsel vm12, $0x0, v25  }
0x1d3: {  	v28 =	vor.u32 v19, v28;
	v59 =	vshll.u32 v37, $0x3;
	v33 =	vmin.u32 v50, $0x13F  }
0x1d4: {  	v37 =	vand.u32 $0x7F, v37;
	v53 =	vshll.u32 v33, $0x3;
	v33 =	vand.u32 $0x7F, v33  }
0x1d5: {  	v36 =	vand.u32 $0xC00, v53;
	v27 =	vnsel vm10, $0x0, v27;
	vm10 =	vgt.s32 v31, $0x0  }
0x1d6: {  	v36 =	vadd.s32 v18, v36;
	v51 =	vnsel vm10, $0x0, v31;
	vm10 =	vgt.s32 v49, $0x0  }
0x1d7: {  	v61 =	vld.idx.msk [tilespmem:v26+s2+$0x0], $0xffff;
	v26 =	vand.u32 $0xC00, v59;
	v52 =	vnsel vm10, $0x0, v49;
	v34 =	vmin.u32 v51, $0x13F  }
0x1d8: {  	v33 =	vor.u32 v33, v36;
	v35 =	vmin.u32 v52, $0x13F;
	v55 =	vshll.u32 v34, $0x3  }
0x1d9: {  	v58 =	vld.idx.msk [tilespmem:v28+s2+$0x0], $0xffff;
	v33 =	vor.u32 v19, v33;
	v56 =	vand.u32 $0xC00, v55;
	v57 =	vshll.u32 v35, $0x3  }
0x1da: {  	v63 =	vld.idx.msk [tilespmem:v29+s2+$0x0], $0xffff;
	v34 =	vand.u32 $0x7F, v34;
	v36 =	vadd.s32 v18, v56;
	v60 =	vand.u32 $0xC00, v57  }
0x1db: {  	v35 =	vand.u32 $0x7F, v35;
	v28 =	vor.u32 v34, v36;
	v62 =	vadd.s32 v18, v60  }
0x1dc: {  	s1 =	simm.s32 $0x20;
	v26 =	vadd.s32 v18, v26;
	v29 =	vor.u32 v19, v28;
	v28 =	vor.u32 v35, v62  }
0x1dd: {  	s31 =	simm.s32 $0x4;
	s16 =	simm.s32 $0x0;
	s0 =	sand.u32 $0x7E0, s1;
	vm12 =	vlt.u32 v31, $0x140;
	v26 =	vor.u32 v37, v26;
	v28 =	vor.u32 v19, v28  }
0x1de: {  	s29 =	simm.s32 $0x30;
	s17 =	simm.s32 $0x10;
	s16 =	sand.u32 $0x7C0, s16;
	v26 =	vor.u32 v19, v26;
	[tilespmem:s0+$0x4700] =	vst v27;
	v27 =	vnsel vm9, $0x0, v58;
	vm10 =	vlt.u32 v30, $0x140;
	v30 =	vld.idx.msk [tilespmem:v33+s2+$0x0], $0xffff  }
0x1df: {  	s30 =	sand.u32 $0x7F0, s29;
	s1 =	sand.u32 $0x7D0, s17;
	s0 =	simm.s32 $0x2C;
	[tilespmem:s16+$0x4700] =	vst v27;
	v31 =	vnsel vm7, $0x0, v61;
	v27 =	vnsel vm8, $0x0, v63;
	vm7 =	vmmov vm12  }
.LBB2_16:
0x1e0: {  	v32 =	vadd.s32 s0, v24  }
0x1e1: {  	s16 =	sadd.s32 $0xFFFFFFFC, s0;
	s31 =	sadd.s32 $0x4, s31;
	v33 =	vld.idx.msk [tilespmem:v29+s2+$0x0], $0xffff;
	vm12 =	vlt.u32 v25, $0x140;
	[tilespmem:s1+$0x4700] =	vst v31;
	s29 =	sadd.s32 $0x40, s29;
	vm8 =	vmmov vm11;
	vm9 =	vmmov vm10  }
0x1e2: {  	s1 =	sadd.s32 $0xFFFFFFF4, s0;
	v25 =	vadd.s32 s16, v24;
	vm10 =	vgt.s32 v32, $0x0;
	p0 =	slt.u32 s31, $0x4C;
	v31 =	vld.idx.msk [tilespmem:v28+s2+$0x0], $0xffff;
	vm11 =	vmand vm6, vm12;
	s16 =	sadd.s32 $0xFFFFFFF0, s29;
	[tilespmem:s30+$0x4700] =	vst v27  }
0x1e3: {  	v27 =	vadd.s32 s1, v24;
	s1 =	sadd.s32 $0xFFFFFFF8, s0;
	s17 =	sadd.s32 $0xFFFFFFD0, s29;
	vm12 =	vgt.s32 v25, $0x0;
	v28 =	vnsel vm11, $0x0, v30;
	s16 =	sand.u32 $0x7E0, s16;
	v34 =	vld.idx.msk [tilespmem:v26+s2+$0x0], $0xffff  }
0x1e4: {  	s30 =	sand.u32 $0x7F0, s29;
	vm11 =	vgt.s32 v27, $0x0;
	v35 =	vadd.s32 s1, v24;
	s17 =	sand.u32 $0x7C0, s17;
	s1 =	sadd.s32 $0xFFFFFFE0, s29;
	v26 =	vnsel vm12, $0x0, v25;
	[tilespmem:s16+$0x4700] =	vst v28  }
0x1e5: {  	v28 =	vnsel vm11, $0x0, v27;
	vm11 =	vgt.s32 v35, $0x0;
	s1 =	sand.u32 $0x7D0, s1;
	v26 =	vmin.u32 v26, $0x13F  }
0x1e6: {  	v36 =	vnsel vm10, $0x0, v32;
	v29 =	vnsel vm11, $0x0, v35;
	v30 =	vshll.u32 v26, $0x3  }
0x1e7: {  	v28 =	vmin.u32 v28, $0x13F;
	v29 =	vmin.u32 v29, $0x13F;
	v30 =	vand.u32 $0xC00, v30  }
0x1e8: {  	v36 =	vmin.u32 v36, $0x13F;
	v26 =	vand.u32 $0x7F, v26;
	v30 =	vadd.s32 v18, v30  }
0x1e9: {  	v37 =	vshll.u32 v28, $0x3;
	v38 =	vshll.u32 v29, $0x3;
	v26 =	vor.u32 v26, v30  }
0x1ea: {  	v30 =	vand.u32 $0xC00, v37;
	v37 =	vshll.u32 v36, $0x3;
	v26 =	vor.u32 v19, v26  }
0x1eb: {  	v38 =	vand.u32 $0xC00, v38;
	v30 =	vadd.s32 v18, v30;
	v37 =	vand.u32 $0xC00, v37  }
0x1ec: {  	v28 =	vand.u32 $0x7F, v28;
	v38 =	vadd.s32 v18, v38;
	v37 =	vadd.s32 v18, v37  }
0x1ed: {  	v36 =	vand.u32 $0x7F, v36;
	v28 =	vor.u32 v28, v30;
	v30 =	vand.u32 $0x7F, v29  }
.Ltmp7:
0x1ee: {  	v29 =	vor.u32 v19, v28;
	v28 =	vor.u32 v30, v38;
	v36 =	vor.u32 v36, v37;
	(pc) =	sbr.rel @p0 .LBB2_16-.Ltmp7, $4  }
0x1ef: {  	vm12 =	vlt.u32 v27, $0x140;
	v28 =	vor.u32 v19, v28;
	v30 =	vld.idx.msk [tilespmem:v26+s2+$0x0], $0xffff;
	v26 =	vor.u32 v19, v36  }
0x1f0: {  	vm7 =	vmand vm6, vm7;
	vm10 =	vlt.u32 v32, $0x140;
	vm11 =	vlt.u32 v35, $0x140  }
0x1f1: {  	v27 =	vnsel vm7, $0x0, v33;
	vm7 =	vmand vm6, vm8;
	vm8 =	vmand vm6, vm9  }
0x1f2: {  	s0 =	sadd.s32 $0x10, s0;
	v31 =	vnsel vm7, $0x0, v31;
	vm7 =	vmmov vm12;
	[tilespmem:s17+$0x4700] =	vst v27;
	v27 =	vnsel vm8, $0x0, v34  }
0x1f3: {  	_ =	sdelay $0x3  }
0x1f4: {  	v29 =	vld.idx.msk [tilespmem:v29+s2+$0x0], $0xffff;
	vm8 =	vlt.u32 v25, $0x140;
	vm9 =	vmmov vm11;
	vm10 =	vmmov vm10;
	s17 =	simm.s32 $0x4  }
0x1f5: {  	v28 =	vld.idx.msk [tilespmem:v28+s2+$0x0], $0xffff;
	vm7 =	vmand vm6, vm7;
	s0 =	simm.s32 $0xC;
	vm8 =	vmand vm6, vm8;
	v34 =	vadd.s32 s17, v24  }
0x1f6: {  	v25 =	vld.idx.msk [tilespmem:v26+s2+$0x0], $0xffff;
	s16 =	simm.s32 $0x8;
	v26 =	vnsel vm8, $0x0, v30;
	v30 =	vadd.s32 s0, v24;
	vm8 =	vgt.s32 v34, $0x0  }
0x1f7: {  	v32 =	vadd.s32 s16, v24;
	s16 =	simm.s32 $0x0;
	s0 =	sadd.s32 $0x40, s29;
	v37 =	vnsel vm8, $0x0, v34;
	vm8 =	vlt.u32 v30, $0x140  }
0x1f8: {  	[tilespmem:s1+$0x4700] =	vst v31;
	v33 =	vadd.s32 s16, v24;
	s16 =	sadd.s32 $0xFFFFFFF0, s0;
	v31 =	vmin.u32 v37, $0x13F;
	vm8 =	vmmov vm8  }
0x1f9: {  	s1 =	sand.u32 $0x7E0, s16;
	v29 =	vnsel vm7, $0x0, v29;
	vm7 =	vmand vm6, vm9;
	vm6 =	vmand vm6, vm10  }
0x1fa: {  	[tilespmem:s1+$0x4700] =	vst v26;
	v26 =	vshll.u32 v31, $0x3;
	vm10 =	vlt.u32 v32, $0x140;
	v28 =	vnsel vm7, $0x0, v28  }
0x1fb: {  	s17 =	sadd.s32 $0xFFFFFFD0, s0;
	v25 =	vnsel vm6, $0x0, v25;
	vm6 =	vgt.s32 v30, $0x0;
	vm7 =	vgt.s32 v32, $0x0  }
0x1fc: {  	s16 =	sand.u32 $0x7C0, s17;
	s17 =	sadd.s32 $0xFFFFFFE0, s0;
	v26 =	vand.u32 $0xC00, v26;
	v35 =	vnsel vm7, $0x0, v32;
	vm7 =	vgt.s32 v33, $0x0  }
0x1fd: {  	[tilespmem:s30+$0x4700] =	vst v27;
	s17 =	sand.u32 $0x7D0, s17;
	v39 =	vnsel vm6, $0x0, v30;
	v26 =	vadd.s32 v20, v26;
	vm6 =	vlt.u32 v33, $0x140  }
0x1fe: {  	[tilespmem:s17+$0x4700] =	vst v28;
	s17 =	simm.s32 $0x1C;
	v35 =	vmin.u32 v35, $0x13F;
	v36 =	vnsel vm7, $0x0, v33;
	v27 =	vmin.u32 v39, $0x13F  }
0x1ff: {  	vm7 =	vlt.u32 v34, $0x140;
	vm9 =	vmmov vm6;
	v30 =	vadd.s32 s17, v24  }
0x200: {  	vm6 =	vlt.u32 v15, $0x140;
	v38 =	vshll.u32 v35, $0x3;
	v36 =	vmin.u32 v36, $0x13F  }
0x201: {  	[tilespmem:s16+$0x4700] =	vst v29;
	v35 =	vand.u32 $0x7F, v35;
	v29 =	vshll.u32 v27, $0x3;
	v38 =	vand.u32 $0xC00, v38  }
0x202: {  	v27 =	vand.u32 $0x7F, v27;
	vm7 =	vmmov vm7;
	v46 =	vadd.s32 v20, v38  }
0x203: {  	s17 =	simm.s32 $0x14;
	vm11 =	vgt.s32 v30, $0x0;
	vm10 =	vmand vm6, vm10;
	v35 =	vor.u32 v35, v46  }
0x204: {  	v49 =	vadd.s32 s17, v24;
	vm9 =	vmand vm6, vm9;
	v35 =	vor.u32 v21, v35  }
0x205: {  	vm8 =	vmand vm6, vm8;
	v47 =	vshll.u32 v36, $0x3;
	v28 =	vand.u32 $0xC00, v29  }
0x206: {  	s0 =	sand.u32 $0x7F0, s0;
	v29 =	vand.u32 $0x7F, v36;
	v54 =	vnsel vm11, $0x0, v30;
	v48 =	vand.u32 $0xC00, v47  }
0x207: {  	s1 =	simm.s32 $0x18;
	[tilespmem:s0+$0x4700] =	vst v25;
	vm11 =	vlt.u32 v49, $0x140;
	v25 =	vadd.s32 v20, v28;
	v37 =	vadd.s32 v20, v48  }
0x208: {  	[hbm4b:s11+s2] =	stream.linear.scatter [tilespmem:s23], [sflag:$0x1], $0x500, $0x38;
	v25 =	vor.u32 v27, v25;
	v28 =	vor.u32 v29, v37;
	v29 =	vand.u32 $0x7F, v31;
	[tilespmem:$0x5600] =	vst v63  }
0x209: {  	s16 =	simm.s32 $0x10;
	v26 =	vor.u32 v29, v26;
	v29 =	vor.u32 v21, v25;
	v25 =	vadd.s32 s1, v24;
	v27 =	vld.idx.msk [tilespmem:v35+s2+$0x0], $0xffff  }
0x20a: {  	vm7 =	vmand vm6, vm7;
	v31 =	vadd.s32 s16, v24;
	vm12 =	vgt.s32 v25, $0x0  }
0x20b: {  	v37 =	vmin.u32 v54, $0x13F;
	v26 =	vor.u32 v21, v26;
	v50 =	vnsel vm12, $0x0, v25  }
0x20c: {  	v28 =	vor.u32 v21, v28;
	v59 =	vshll.u32 v37, $0x3;
	v33 =	vmin.u32 v50, $0x13F  }
0x20d: {  	v37 =	vand.u32 $0x7F, v37;
	v53 =	vshll.u32 v33, $0x3;
	v33 =	vand.u32 $0x7F, v33  }
0x20e: {  	v36 =	vand.u32 $0xC00, v53;
	v27 =	vnsel vm10, $0x0, v27;
	vm10 =	vgt.s32 v31, $0x0  }
0x20f: {  	v36 =	vadd.s32 v20, v36;
	v51 =	vnsel vm10, $0x0, v31;
	vm10 =	vgt.s32 v49, $0x0  }
0x210: {  	v61 =	vld.idx.msk [tilespmem:v26+s2+$0x0], $0xffff;
	v26 =	vand.u32 $0xC00, v59;
	v52 =	vnsel vm10, $0x0, v49;
	v34 =	vmin.u32 v51, $0x13F  }
0x211: {  	v33 =	vor.u32 v33, v36;
	v35 =	vmin.u32 v52, $0x13F;
	v55 =	vshll.u32 v34, $0x3  }
0x212: {  	v58 =	vld.idx.msk [tilespmem:v28+s2+$0x0], $0xffff;
	v33 =	vor.u32 v21, v33;
	v56 =	vand.u32 $0xC00, v55;
	v57 =	vshll.u32 v35, $0x3  }
0x213: {  	v63 =	vld.idx.msk [tilespmem:v29+s2+$0x0], $0xffff;
	v34 =	vand.u32 $0x7F, v34;
	v36 =	vadd.s32 v20, v56;
	v60 =	vand.u32 $0xC00, v57  }
0x214: {  	v35 =	vand.u32 $0x7F, v35;
	v28 =	vor.u32 v34, v36;
	v62 =	vadd.s32 v20, v60  }
0x215: {  	s1 =	simm.s32 $0x20;
	v26 =	vadd.s32 v20, v26;
	v29 =	vor.u32 v21, v28;
	v28 =	vor.u32 v35, v62  }
0x216: {  	s31 =	simm.s32 $0x4;
	s16 =	simm.s32 $0x0;
	s0 =	sand.u32 $0x7E0, s1;
	vm12 =	vlt.u32 v31, $0x140;
	v26 =	vor.u32 v37, v26;
	v28 =	vor.u32 v21, v28  }
0x217: {  	s29 =	simm.s32 $0x30;
	s17 =	simm.s32 $0x10;
	s16 =	sand.u32 $0x7C0, s16;
	v26 =	vor.u32 v21, v26;
	[tilespmem:s0+$0x4C00] =	vst v27;
	v27 =	vnsel vm9, $0x0, v58;
	vm10 =	vlt.u32 v30, $0x140;
	v30 =	vld.idx.msk [tilespmem:v33+s2+$0x0], $0xffff  }
0x218: {  	s30 =	sand.u32 $0x7F0, s29;
	s1 =	sand.u32 $0x7D0, s17;
	s0 =	simm.s32 $0x2C;
	[tilespmem:s16+$0x4C00] =	vst v27;
	v31 =	vnsel vm7, $0x0, v61;
	v27 =	vnsel vm8, $0x0, v63;
	vm7 =	vmmov vm12  }
.LBB2_18:
0x219: {  	v32 =	vadd.s32 s0, v24  }
0x21a: {  	s16 =	sadd.s32 $0xFFFFFFFC, s0;
	s31 =	sadd.s32 $0x4, s31;
	v33 =	vld.idx.msk [tilespmem:v29+s2+$0x0], $0xffff;
	vm12 =	vlt.u32 v25, $0x140;
	[tilespmem:s1+$0x4C00] =	vst v31;
	s29 =	sadd.s32 $0x40, s29;
	vm8 =	vmmov vm11;
	vm9 =	vmmov vm10  }
0x21b: {  	s1 =	sadd.s32 $0xFFFFFFF4, s0;
	v25 =	vadd.s32 s16, v24;
	vm10 =	vgt.s32 v32, $0x0;
	p0 =	slt.u32 s31, $0x4C;
	v31 =	vld.idx.msk [tilespmem:v28+s2+$0x0], $0xffff;
	vm11 =	vmand vm6, vm12;
	s16 =	sadd.s32 $0xFFFFFFF0, s29;
	[tilespmem:s30+$0x4C00] =	vst v27  }
0x21c: {  	v27 =	vadd.s32 s1, v24;
	s1 =	sadd.s32 $0xFFFFFFF8, s0;
	s17 =	sadd.s32 $0xFFFFFFD0, s29;
	vm12 =	vgt.s32 v25, $0x0;
	v28 =	vnsel vm11, $0x0, v30;
	s16 =	sand.u32 $0x7E0, s16;
	v34 =	vld.idx.msk [tilespmem:v26+s2+$0x0], $0xffff  }
0x21d: {  	s30 =	sand.u32 $0x7F0, s29;
	vm11 =	vgt.s32 v27, $0x0;
	v35 =	vadd.s32 s1, v24;
	s17 =	sand.u32 $0x7C0, s17;
	s1 =	sadd.s32 $0xFFFFFFE0, s29;
	v26 =	vnsel vm12, $0x0, v25;
	[tilespmem:s16+$0x4C00] =	vst v28  }
0x21e: {  	v28 =	vnsel vm11, $0x0, v27;
	vm11 =	vgt.s32 v35, $0x0;
	s1 =	sand.u32 $0x7D0, s1;
	v26 =	vmin.u32 v26, $0x13F  }
0x21f: {  	v36 =	vnsel vm10, $0x0, v32;
	v29 =	vnsel vm11, $0x0, v35;
	v30 =	vshll.u32 v26, $0x3  }
0x220: {  	v28 =	vmin.u32 v28, $0x13F;
	v29 =	vmin.u32 v29, $0x13F;
	v30 =	vand.u32 $0xC00, v30  }
0x221: {  	v36 =	vmin.u32 v36, $0x13F;
	v26 =	vand.u32 $0x7F, v26;
	v30 =	vadd.s32 v20, v30  }
0x222: {  	v37 =	vshll.u32 v28, $0x3;
	v38 =	vshll.u32 v29, $0x3;
	v26 =	vor.u32 v26, v30  }
0x223: {  	v30 =	vand.u32 $0xC00, v37;
	v37 =	vshll.u32 v36, $0x3;
	v26 =	vor.u32 v21, v26  }
0x224: {  	v38 =	vand.u32 $0xC00, v38;
	v30 =	vadd.s32 v20, v30;
	v37 =	vand.u32 $0xC00, v37  }
0x225: {  	v28 =	vand.u32 $0x7F, v28;
	v38 =	vadd.s32 v20, v38;
	v37 =	vadd.s32 v20, v37  }
0x226: {  	v36 =	vand.u32 $0x7F, v36;
	v28 =	vor.u32 v28, v30;
	v30 =	vand.u32 $0x7F, v29  }
.Ltmp8:
0x227: {  	v29 =	vor.u32 v21, v28;
	v28 =	vor.u32 v30, v38;
	v36 =	vor.u32 v36, v37;
	(pc) =	sbr.rel @p0 .LBB2_18-.Ltmp8, $4  }
0x228: {  	vm12 =	vlt.u32 v27, $0x140;
	v28 =	vor.u32 v21, v28;
	v30 =	vld.idx.msk [tilespmem:v26+s2+$0x0], $0xffff;
	v26 =	vor.u32 v21, v36  }
0x229: {  	vm7 =	vmand vm6, vm7;
	vm10 =	vlt.u32 v32, $0x140;
	vm11 =	vlt.u32 v35, $0x140  }
0x22a: {  	v27 =	vnsel vm7, $0x0, v33;
	vm7 =	vmand vm6, vm8;
	vm8 =	vmand vm6, vm9  }
0x22b: {  	s0 =	sadd.s32 $0x10, s0;
	v31 =	vnsel vm7, $0x0, v31;
	vm7 =	vmmov vm12;
	[tilespmem:s17+$0x4C00] =	vst v27;
	v27 =	vnsel vm8, $0x0, v34  }
0x22c: {  	_ =	sdelay $0x3  }
0x22d: {  	v29 =	vld.idx.msk [tilespmem:v29+s2+$0x0], $0xffff;
	vm8 =	vlt.u32 v25, $0x140;
	vm9 =	vmmov vm11;
	vm10 =	vmmov vm10;
	s17 =	simm.s32 $0x4  }
0x22e: {  	v28 =	vld.idx.msk [tilespmem:v28+s2+$0x0], $0xffff;
	vm7 =	vmand vm6, vm7;
	s0 =	simm.s32 $0xC;
	vm8 =	vmand vm6, vm8;
	v34 =	vadd.s32 s17, v24  }
0x22f: {  	v25 =	vld.idx.msk [tilespmem:v26+s2+$0x0], $0xffff;
	s16 =	simm.s32 $0x8;
	v26 =	vnsel vm8, $0x0, v30;
	v30 =	vadd.s32 s0, v24;
	vm8 =	vgt.s32 v34, $0x0  }
0x230: {  	v32 =	vadd.s32 s16, v24;
	s16 =	simm.s32 $0x0;
	s0 =	sadd.s32 $0x40, s29;
	v37 =	vnsel vm8, $0x0, v34;
	vm8 =	vlt.u32 v30, $0x140  }
0x231: {  	[tilespmem:s1+$0x4C00] =	vst v31;
	v33 =	vadd.s32 s16, v24;
	s16 =	sadd.s32 $0xFFFFFFF0, s0;
	v31 =	vmin.u32 v37, $0x13F;
	vm8 =	vmmov vm8  }
0x232: {  	s1 =	sand.u32 $0x7E0, s16;
	v29 =	vnsel vm7, $0x0, v29;
	vm7 =	vmand vm6, vm9;
	vm6 =	vmand vm6, vm10  }
0x233: {  	[tilespmem:s1+$0x4C00] =	vst v26;
	v26 =	vshll.u32 v31, $0x3;
	vm10 =	vlt.u32 v32, $0x140;
	v28 =	vnsel vm7, $0x0, v28  }
0x234: {  	v25 =	vnsel vm6, $0x0, v25;
	vm6 =	vgt.s32 v30, $0x0;
	vm7 =	vgt.s32 v32, $0x0  }
0x235: {  	v26 =	vand.u32 $0xC00, v26;
	v35 =	vnsel vm7, $0x0, v32;
	vm7 =	vgt.s32 v33, $0x0  }
0x236: {  	s1 =	simm.s32 $0x1C;
	v39 =	vnsel vm6, $0x0, v30;
	v26 =	vadd.s32 v22, v26;
	vm6 =	vlt.u32 v33, $0x140  }
0x237: {  	v30 =	vadd.s32 s1, v24;
	v35 =	vmin.u32 v35, $0x13F;
	v36 =	vnsel vm7, $0x0, v33  }
0x238: {  	[tilespmem:s30+$0x4C00] =	vst v27;
	v27 =	vmin.u32 v39, $0x13F;
	vm7 =	vlt.u32 v34, $0x140;
	vm9 =	vmmov vm6  }
0x239: {  	s17 =	sadd.s32 $0xFFFFFFD0, s0;
	s1 =	simm.s32 $0x14;
	vm6 =	vlt.u32 v17, $0x140;
	vm11 =	vgt.s32 v30, $0x0;
	v38 =	vshll.u32 v35, $0x3  }
0x23a: {  	s16 =	sand.u32 $0x7C0, s17;
	v49 =	vadd.s32 s1, v24;
	v36 =	vmin.u32 v36, $0x13F;
	v38 =	vand.u32 $0xC00, v38  }
0x23b: {  	[tilespmem:s16+$0x4C00] =	vst v29;
	v35 =	vand.u32 $0x7F, v35;
	v29 =	vshll.u32 v27, $0x3;
	v46 =	vadd.s32 v22, v38  }
0x23c: {  	v27 =	vand.u32 $0x7F, v27;
	vm7 =	vmmov vm7;
	v35 =	vor.u32 v35, v46  }
0x23d: {  	s17 =	sadd.s32 $0xFFFFFFE0, s0;
	vm10 =	vmand vm6, vm10;
	v54 =	vnsel vm11, $0x0, v30;
	v35 =	vor.u32 v23, v35  }
0x23e: {  	s17 =	sand.u32 $0x7D0, s17;
	vm11 =	vlt.u32 v49, $0x140;
	vm9 =	vmand vm6, vm9;
	v47 =	vshll.u32 v36, $0x3  }
0x23f: {  	s0 =	sand.u32 $0x7F0, s0;
	[tilespmem:s17+$0x4C00] =	vst v28;
	vm8 =	vmand vm6, vm8;
	v28 =	vand.u32 $0xC00, v29;
	v48 =	vand.u32 $0xC00, v47  }
0x240: {  	s16 =	simm.s32 $0x18;
	[tilespmem:s0+$0x4C00] =	vst v25;
	v29 =	vand.u32 $0x7F, v36;
	v25 =	vadd.s32 v22, v28;
	v37 =	vadd.s32 v22, v48  }
0x241: {  	[hbm4b:s12+s2] =	stream.linear.scatter [tilespmem:s24], [sflag:$0x1], $0x500, $0x38;
	v25 =	vor.u32 v27, v25;
	v28 =	vor.u32 v29, v37;
	v29 =	vand.u32 $0x7F, v31;
	[tilespmem:$0x5600] =	vst v63  }
0x242: {  	s17 =	simm.s32 $0x10;
	v26 =	vor.u32 v29, v26;
	v29 =	vor.u32 v23, v25;
	v25 =	vadd.s32 s16, v24;
	v27 =	vld.idx.msk [tilespmem:v35+s2+$0x0], $0xffff  }
0x243: {  	vm7 =	vmand vm6, vm7;
	v31 =	vadd.s32 s17, v24;
	vm12 =	vgt.s32 v25, $0x0  }
0x244: {  	v37 =	vmin.u32 v54, $0x13F;
	v26 =	vor.u32 v23, v26;
	v50 =	vnsel vm12, $0x0, v25  }
0x245: {  	v28 =	vor.u32 v23, v28;
	v59 =	vshll.u32 v37, $0x3;
	v33 =	vmin.u32 v50, $0x13F  }
0x246: {  	v37 =	vand.u32 $0x7F, v37;
	v53 =	vshll.u32 v33, $0x3;
	v33 =	vand.u32 $0x7F, v33  }
0x247: {  	v36 =	vand.u32 $0xC00, v53;
	v27 =	vnsel vm10, $0x0, v27;
	vm10 =	vgt.s32 v31, $0x0  }
0x248: {  	v36 =	vadd.s32 v22, v36;
	v51 =	vnsel vm10, $0x0, v31;
	vm10 =	vgt.s32 v49, $0x0  }
0x249: {  	v61 =	vld.idx.msk [tilespmem:v26+s2+$0x0], $0xffff;
	v26 =	vand.u32 $0xC00, v59;
	v52 =	vnsel vm10, $0x0, v49;
	v34 =	vmin.u32 v51, $0x13F  }
0x24a: {  	v33 =	vor.u32 v33, v36;
	v35 =	vmin.u32 v52, $0x13F;
	v55 =	vshll.u32 v34, $0x3  }
0x24b: {  	v58 =	vld.idx.msk [tilespmem:v28+s2+$0x0], $0xffff;
	v33 =	vor.u32 v23, v33;
	v56 =	vand.u32 $0xC00, v55;
	v57 =	vshll.u32 v35, $0x3  }
0x24c: {  	v63 =	vld.idx.msk [tilespmem:v29+s2+$0x0], $0xffff;
	v34 =	vand.u32 $0x7F, v34;
	v36 =	vadd.s32 v22, v56;
	v60 =	vand.u32 $0xC00, v57  }
0x24d: {  	v35 =	vand.u32 $0x7F, v35;
	v28 =	vor.u32 v34, v36;
	v62 =	vadd.s32 v22, v60  }
0x24e: {  	s16 =	simm.s32 $0x20;
	v26 =	vadd.s32 v22, v26;
	v29 =	vor.u32 v23, v28;
	v28 =	vor.u32 v35, v62  }
0x24f: {  	s30 =	simm.s32 $0x4;
	s17 =	simm.s32 $0x0;
	s0 =	sand.u32 $0x7E0, s16;
	vm12 =	vlt.u32 v31, $0x140;
	v26 =	vor.u32 v37, v26;
	v28 =	vor.u32 v23, v28  }
0x250: {  	s29 =	simm.s32 $0x30;
	s16 =	sand.u32 $0x7C0, s17;
	s17 =	simm.s32 $0x10;
	v26 =	vor.u32 v23, v26;
	[tilespmem:s0+$0x5100] =	vst v27;
	vm10 =	vlt.u32 v30, $0x140;
	v30 =	vnsel vm9, $0x0, v58;
	v27 =	vld.idx.msk [tilespmem:v33+s2+$0x0], $0xffff  }
0x251: {  	s1 =	sand.u32 $0x7F0, s29;
	s31 =	sand.u32 $0x7D0, s17;
	s0 =	simm.s32 $0x2C;
	v31 =	vnsel vm7, $0x0, v61;
	vm7 =	vmmov vm12;
	[tilespmem:s16+$0x5100] =	vst v30;
	v30 =	vnsel vm8, $0x0, v63  }
.LBB2_20:
0x252: {  	v32 =	vadd.s32 s0, v24  }
0x253: {  	s16 =	sadd.s32 $0xFFFFFFFC, s0;
	s30 =	sadd.s32 $0x4, s30;
	v33 =	vld.idx.msk [tilespmem:v29+s2+$0x0], $0xffff;
	vm12 =	vlt.u32 v25, $0x140;
	[tilespmem:s31+$0x5100] =	vst v31;
	s29 =	sadd.s32 $0x40, s29;
	vm8 =	vmmov vm11;
	vm9 =	vmmov vm10  }
0x254: {  	s17 =	sadd.s32 $0xFFFFFFF4, s0;
	v25 =	vadd.s32 s16, v24;
	vm10 =	vgt.s32 v32, $0x0;
	p0 =	slt.u32 s30, $0x4C;
	v31 =	vld.idx.msk [tilespmem:v28+s2+$0x0], $0xffff;
	vm11 =	vmand vm6, vm12;
	s16 =	sadd.s32 $0xFFFFFFF0, s29;
	[tilespmem:s1+$0x5100] =	vst v30  }
0x255: {  	v28 =	vadd.s32 s17, v24;
	s1 =	sadd.s32 $0xFFFFFFF8, s0;
	s17 =	sadd.s32 $0xFFFFFFD0, s29;
	vm12 =	vgt.s32 v25, $0x0;
	v27 =	vnsel vm11, $0x0, v27;
	s16 =	sand.u32 $0x7E0, s16;
	v30 =	vld.idx.msk [tilespmem:v26+s2+$0x0], $0xffff  }
0x256: {  	s31 =	sadd.s32 $0xFFFFFFE0, s29;
	vm11 =	vgt.s32 v28, $0x0;
	v34 =	vadd.s32 s1, v24;
	s17 =	sand.u32 $0x7C0, s17;
	s1 =	sand.u32 $0x7F0, s29;
	v26 =	vnsel vm12, $0x0, v25;
	[tilespmem:s16+$0x5100] =	vst v27  }
0x257: {  	s31 =	sand.u32 $0x7D0, s31;
	v27 =	vnsel vm11, $0x0, v28;
	vm11 =	vgt.s32 v34, $0x0;
	v26 =	vmin.u32 v26, $0x13F  }
0x258: {  	v36 =	vnsel vm10, $0x0, v32;
	v29 =	vnsel vm11, $0x0, v34;
	v35 =	vshll.u32 v26, $0x3  }
0x259: {  	v27 =	vmin.u32 v27, $0x13F;
	v29 =	vmin.u32 v29, $0x13F;
	v35 =	vand.u32 $0xC00, v35  }
0x25a: {  	v36 =	vmin.u32 v36, $0x13F;
	v26 =	vand.u32 $0x7F, v26;
	v35 =	vadd.s32 v22, v35  }
0x25b: {  	v37 =	vshll.u32 v27, $0x3;
	v38 =	vshll.u32 v29, $0x3;
	v26 =	vor.u32 v26, v35  }
0x25c: {  	v35 =	vand.u32 $0xC00, v37;
	v37 =	vshll.u32 v36, $0x3;
	v26 =	vor.u32 v23, v26  }
0x25d: {  	v38 =	vand.u32 $0xC00, v38;
	v35 =	vadd.s32 v22, v35;
	v37 =	vand.u32 $0xC00, v37  }
0x25e: {  	v27 =	vand.u32 $0x7F, v27;
	v38 =	vadd.s32 v22, v38;
	v37 =	vadd.s32 v22, v37  }
0x25f: {  	v36 =	vand.u32 $0x7F, v36;
	v27 =	vor.u32 v27, v35;
	v35 =	vand.u32 $0x7F, v29  }
.Ltmp9:
0x260: {  	v29 =	vor.u32 v23, v27;
	v27 =	vor.u32 v35, v38;
	v35 =	vor.u32 v36, v37;
	(pc) =	sbr.rel @p0 .LBB2_20-.Ltmp9, $4  }
0x261: {  	vm12 =	vlt.u32 v28, $0x140;
	v28 =	vor.u32 v23, v27;
	v27 =	vld.idx.msk [tilespmem:v26+s2+$0x0], $0xffff;
	v26 =	vor.u32 v23, v35  }
0x262: {  	vm7 =	vmand vm6, vm7;
	vm10 =	vlt.u32 v32, $0x140;
	vm11 =	vlt.u32 v34, $0x140  }
0x263: {  	v32 =	vnsel vm7, $0x0, v33;
	vm7 =	vmand vm6, vm8;
	vm8 =	vmand vm6, vm9  }
0x264: {  	s0 =	sadd.s32 $0x10, s0;
	v31 =	vnsel vm7, $0x0, v31;
	vm7 =	vmmov vm12;
	v30 =	vnsel vm8, $0x0, v30;
	[tilespmem:s17+$0x5100] =	vst v32  }
0x265: {  	_ =	sdelay $0x3  }
0x266: {  	v29 =	vld.idx.msk [tilespmem:v29+s2+$0x0], $0xffff  }
0x267: {  	v28 =	vld.idx.msk [tilespmem:v28+s2+$0x0], $0xffff  }
0x268: {  	vm8 =	vlt.u32 v25, $0x140;
	s0 =	sadd.s32 $0x40, s29;
	v25 =	vld.idx.msk [tilespmem:v26+s2+$0x0], $0xffff  }
0x269: {  	[tilespmem:s31+$0x5100] =	vst v31;
	vm8 =	vmand vm6, vm8;
	s16 =	sadd.s32 $0xFFFFFFF0, s0  }
0x26a: {  	vm9 =	vmmov vm11;
	[tilespmem:s1+$0x5100] =	vst v30;
	vm7 =	vmand vm6, vm7;
	s30 =	sadd.s32 $0xFFFFFFD0, s0;
	v26 =	vnsel vm8, $0x0, v27;
	s16 =	sand.u32 $0x7E0, s16  }
0x26b: {  	vm15 =	vmmov vm10;
	s17 =	sadd.s32 $0xFFFFFFE0, s0;
	s1 =	sand.u32 $0x7C0, s30;
	[tilespmem:s16+$0x5100] =	vst v26;
	v26 =	vnsel vm7, $0x0, v29;
	vm7 =	vmand vm6, vm9  }
0x26c: {  	s31 =	sand.u32 $0x7D0, s17;
	vm6 =	vmand vm6, vm15;
	[tilespmem:s1+$0x5100] =	vst v26;
	v26 =	vnsel vm7, $0x0, v28  }
0x26d: {  	s0 =	sand.u32 $0x7F0, s0;
	v25 =	vnsel vm6, $0x0, v25;
	[tilespmem:s31+$0x5100] =	vst v26  }
0x26e: {  	[tilespmem:s0+$0x5100] =	vst v25  }
0x26f: {  	[hbm4b:s13+s2] =	stream.linear.scatter [tilespmem:s25], [sflag:$0x1], $0x500, $0x38;
	[tilespmem:$0x5600] =	vst v63  }
0x270: {  	_ =	swait.ge [sflag:s26], $0x500  }
0x271: {  	[sflag:s26] =	ssyncset.done $0x0  }
0x272: {  	[sflag:s26] =	ssyncadd.s32 $0xFFFFFB00  }
0x273: {  	_ =	swait.ge [sflag:s26], $0x500  }
0x274: {  	[sflag:s26] =	ssyncset.done $0x0  }
0x275: {  	[sflag:s26] =	ssyncadd.s32 $0xFFFFFB00  }
0x276: {  	_ =	swait.ge [sflag:s26], $0x500  }
0x277: {  	[sflag:s26] =	ssyncset.done $0x0  }
0x278: {  	[sflag:s26] =	ssyncadd.s32 $0xFFFFFB00  }
0x279: {  	_ =	swait.ge [sflag:s26], $0x500  }
0x27a: {  	[sflag:s26] =	ssyncset.done $0x0  }
0x27b: {  	[sflag:s26] =	ssyncadd.s32 $0xFFFFFB00  }
0x27c: {  	_ =	swait.ge [sflag:s26], $0x500  }
0x27d: {  	[sflag:s26] =	ssyncset.done $0x0  }
0x27e: {  	[sflag:s26] =	ssyncadd.s32 $0xFFFFFB00  }
0x27f: {  	_ =	swait.ge [sflag:s26], $0x500  }
0x280: {  	[sflag:s26] =	ssyncset.done $0x0  }
0x281: {  	[sflag:s26] =	ssyncadd.s32 $0xFFFFFB00  }
0x282: {  	_ =	swait.ge [sflag:s26], $0x500  }
0x283: {  	[sflag:s26] =	ssyncset.done $0x0  }
0x284: {  	[sflag:s26] =	ssyncadd.s32 $0xFFFFFB00  }
0x285: {  	_ =	swait.ge [sflag:s26], $0x500  }
0x286: {  	[sflag:s26] =	ssyncset.done $0x0  }
0x287: {  	s28 =	sadd.s32 $0x1, s28;
	[sflag:s26] =	ssyncadd.s32 $0xFFFFFB00  }
0x288: {  	p0 =	sne.s32 s28, s14;
	_ =	swait.ge [sflag:s26], $0x500  }
.Ltmp10:
0x289: {  	[sflag:s26] =	ssyncset.done $0x0;
	(pc) =	sbr.rel @p0 .LBB2_1-.Ltmp10, $4  }
0x28a: {  	[sflag:s26] =	ssyncadd.s32 $0xFFFFFB00  }
0x28b: {  	_ =	swait.ge [sflag:s26], $0x500  }
0x28c: {  	[sflag:s26] =	ssyncset.done $0x0  }
0x28d: {  	[sflag:s26] =	ssyncadd.s32 $0xFFFFFB00  }
0x28e: {  	_ =	sfence.sel $0x180000  }
0x28f: {  	[bflag:$0x0] =	sbarrier.arrive $0xFFFF  }
0x290: {  	_ =	strace $0x90000047  }
0x291: {  	s0 =	stileid.u32;
	[bflag:$0x2] =	sbarrier.arrive $0xFFFF  }
0x292: {  	p0 =	sne.s32 s0, $0x0;
	s0 =	rddreg [dreg:$0x2]  }
0x293: {  	s0 =	sadd.s32 @!p0 $0x100000, s0  }
0x294: {  	[sflag:s0] =	ssyncadd.tile.s32 @!p0 $0x1;
	_ =	shalt  }
.Lfunc_end2:
_tile_overlayer_lowered:
.L_overlay_start_2:
0x295: {  	(tag) =	ssettag $0x2  }
0x296: {  	s0 =	rddreg [dreg:$0x0];
	s2 =	stileid.u32  }
0x297: {  	s1 =	rddreg [dreg:$0x1];
	p0 =	sne.s32 s2, $0x0  }
0x298: {  	s3 =	rddreg [dreg:$0x2];
	[bflag:$0x3] =	sbarrier.arrive $0xFFFF;
	s2 =	simm.s32 @!p0 $0x1C02  }
0x299: {  	[timem:s3], [sflag:s2] =	dma.local @!p0 [hbm:s0], s1  }
0x29a: {  	s0 =	simm.s32 @!p0 $0x2  }
0x29b: {  	_ =	swait.ge @!p0 [sflag:s0], s1  }
0x29c: {  	s1 =	ssub.s32 @!p0 $0x0, s1;
	[sflag:s0] =	ssyncset.done @!p0 $0x0  }
0x29d: {  	[sflag:s0] =	ssyncadd.s32 @!p0 s1  }
0x29e: {  	[bflag:$0x3] =	sbarrier.arrive $0xFFFF  }
0x29f: {  	_ =	shalt  }

</sc_bundles>
